<compile_context>
chip_gen: v7x
topology: tpu7x:2x2x1
jax: 0.10.2.dev20260603
libtpu: 0.0.44.dev20260713+nightly
codegen_flags: <defaults>
</compile_context>

<pallas_src>
import functools

import jax
import jax.numpy as jnp
from jax import lax
from jax.experimental import pallas as pl
from jax.experimental.pallas import tpu as pltpu
from jax.experimental.pallas import tpu_sc as plsc

N_E = 8192
E_DIM = 64
BETA = 0.25
RADIAL_BINS = 16
ANGULAR_BINS = N_E // RADIAL_BINS
MAX_RADIUS = 1.1
BLK = 3072
A_PAD = ANGULAR_BINS + 8
IDX_CHUNK = 128


def _acosh(x):
    return jnp.log(x + jnp.sqrt((x - 1.0) * (x + 1.0)))


def _vq_kernel(x_ref, rc_ref, a_ref,
               comb_ref, hist_ref, tad_ref,
               loss_ref, emean_ref, div_ref, perp_ref, *, nblk, n):
    i = pl.program_id(0)
    x = x_ref[...]

    dotm = jax.lax.dot_general(a_ref[...], x, (((1,), (1,)), ((), ())),
                               precision=jax.lax.Precision.HIGHEST,
                               preferred_element_type=jnp.float32)
    u_t = dotm[ANGULAR_BINS:ANGULAR_BINS + 1, :]
    r = _acosh(jnp.maximum(u_t, 1.01))
    dot_v = dotm[:ANGULAR_BINS]

    iota_w = jax.lax.broadcasted_iota(jnp.int32, (ANGULAR_BINS, BLK), 0)
    dval = jnp.max(dot_v, axis=0, keepdims=True)
    best_widx = jnp.min(jnp.where(dot_v == dval, iota_w, ANGULAR_BINS),
                        axis=0, keepdims=True)

    rc = jnp.clip(rc_ref[...], 0.01, MAX_RADIUS)
    dist_r = jnp.abs(r - rc)
    iota_r = jax.lax.broadcasted_iota(jnp.int32, (RADIAL_BINS, BLK), 0)
    r_sel = []
    for _ in range(3):
        v = jnp.min(dist_r, axis=0, keepdims=True)
        idx = jnp.min(jnp.where(dist_r == v, iota_r, RADIAL_BINS),
                      axis=0, keepdims=True)
        rc_v = jnp.max(jnp.where(iota_r == idx, rc + 0.0 * dist_r, -jnp.inf),
                       axis=0, keepdims=True)
        r_sel.append((rc_v, idx))
        dist_r = jnp.where(iota_r == idx, jnp.inf, dist_r)

    best_d = jnp.full((1, BLK), jnp.inf, dtype=jnp.float32)
    best_ridx = jnp.zeros((1, BLK), dtype=jnp.int32)
    best_cosh = jnp.ones((1, BLK), dtype=jnp.float32)
    for rc_v, ridx in r_sel:
        e = jnp.exp(rc_v)
        ch = 0.5 * (e + 1.0 / e)
        sh = 0.5 * (e - 1.0 / e)
        arg = jnp.maximum(u_t * ch - sh * dval, 1.0 + 1e-7)
        d = _acosh(arg)
        mask = d < best_d
        best_d = jnp.where(mask, d, best_d)
        best_ridx = jnp.where(mask, ridx, best_ridx)
        best_cosh = jnp.where(mask, ch, best_cosh)

    comb_ref[...] = best_ridx * ANGULAR_BINS + best_widx

    rx = _acosh(jnp.maximum(u_t, 1.0 + 1e-5))
    ry = _acosh(jnp.maximum(best_cosh, 1.0 + 1e-5))
    tad_part = jnp.sum(best_d + jnp.abs(rx - ry))

    oh_w = (iota_w == best_widx).astype(jnp.bfloat16)
    oh_r = (iota_r == best_ridx).astype(jnp.bfloat16)
    hist_part = jax.lax.dot_general(
        oh_r, oh_w, (((1,), (1,)), ((), ())),
        preferred_element_type=jnp.float32)

    @pl.when(i == 0)
    def _():
        hist_ref[...] = hist_part
        tad_ref[...] = tad_part.reshape(1, 1)

    @pl.when(i > 0)
    def _():
        hist_ref[...] += hist_part
        tad_ref[...] += tad_part.reshape(1, 1)

    @pl.when(i == nblk - 1)
    def _():
        e_mean = hist_ref[...] * (1.0 / n)
        emean_ref[...] = e_mean
        div = -jnp.sum(e_mean * jnp.log(e_mean + 1e-10))
        div_ref[...] = div.reshape(1, 1)
        perp_ref[...] = jnp.exp(div).reshape(1, 1)
        loss_ref[...] = (1.0 + BETA) * tad_ref[...] * (1.0 / n)


def _table_kernel(rc_ref, a_ref, tab_ref):
    i = pl.program_id(0)
    rc_all = jnp.clip(rc_ref[...], 0.01, MAX_RADIUS)
    sel = jax.lax.broadcasted_iota(jnp.int32, (RADIAL_BINS, 1), 0) == i
    rc = jnp.max(jnp.where(sel, rc_all, -jnp.inf))
    e = jnp.exp(rc)
    ch = 0.5 * (e + 1.0 / e)
    sh = 0.5 * (e - 1.0 / e)
    a = a_ref[...]
    e0 = (jax.lax.broadcasted_iota(jnp.int32, (ANGULAR_BINS, E_DIM), 1) == 0)
    tab_ref[...] = a * sh + jnp.where(e0, ch, 0.0)


def _sc_zq_gather(rows_per_w, n, out_shape):
    nchunk = rows_per_w // IDX_CHUNK
    t_dim = out_shape[1]
    planes_per_w = rows_per_w // t_dim
    mesh = plsc.VectorSubcoreMesh(core_axis_name="c", subcore_axis_name="s")

    @functools.partial(
        pl.kernel, mesh=mesh,
        compiler_params=pltpu.CompilerParams(use_tc_tiling_on_sc=False),
        out_type=jax.ShapeDtypeStruct(out_shape, jnp.float32),
        scratch_types=[
            pltpu.VMEM((nchunk, IDX_CHUNK), jnp.int32),
            pltpu.VMEM((rows_per_w, E_DIM), jnp.float32),
            pltpu.SemaphoreType.DMA,
        ],
    )
    def zq_gather(tab_hbm, comb_hbm, zq_hbm, idx_v, rows_v, sem):
        wid = lax.axis_index("s") * 2 + lax.axis_index("c")
        base = wid * rows_per_w
        for j in range(nchunk):
            pltpu.sync_copy(
                comb_hbm.at[pl.ds(base + j * IDX_CHUNK, IDX_CHUNK)],
                idx_v.at[j])
        copies = []
        for j in range(nchunk):
            copies.append(pltpu.async_copy(
                tab_hbm.at[idx_v.at[j]],
                rows_v.at[pl.ds(j * IDX_CHUNK, IDX_CHUNK)], sem))
        for c in copies:
            c.wait()
        for p in range(planes_per_w):
            pltpu.sync_copy(rows_v.at[pl.ds(p * t_dim, t_dim)],
                            zq_hbm.at[planes_per_w * wid + p])

    return zq_gather


def kernel(u_hyp, r_centres, angular_weight):
    shape = u_hyp.shape
    flat = u_hyp.reshape(-1, shape[-1]).astype(jnp.float32)
    n = flat.shape[0]
    nblk = n // BLK
    aw = angular_weight.astype(jnp.float32)
    a = jnp.concatenate(
        [jnp.zeros((ANGULAR_BINS, 1), jnp.float32), aw], axis=1)
    aext = jnp.zeros((A_PAD, E_DIM), jnp.float32)
    aext = aext.at[:ANGULAR_BINS].set(a)
    aext = aext.at[ANGULAR_BINS, 0].set(1.0)
    rc2d = r_centres.astype(jnp.float32).reshape(RADIAL_BINS, 1)

    comb, hist, tad, loss, emean, div, perp = pl.pallas_call(
        functools.partial(_vq_kernel, nblk=nblk, n=n),
        grid=(nblk,),
        in_specs=[
            pl.BlockSpec((BLK, E_DIM), lambda i: (i, 0)),
            pl.BlockSpec((RADIAL_BINS, 1), lambda i: (0, 0)),
            pl.BlockSpec((A_PAD, E_DIM), lambda i: (0, 0)),
        ],
        out_specs=[
            pl.BlockSpec((1, BLK), lambda i: (0, i)),
            pl.BlockSpec((RADIAL_BINS, ANGULAR_BINS), lambda i: (0, 0)),
            pl.BlockSpec((1, 1), lambda i: (0, 0)),
            pl.BlockSpec((1, 1), lambda i: (0, 0)),
            pl.BlockSpec((RADIAL_BINS, ANGULAR_BINS), lambda i: (0, 0)),
            pl.BlockSpec((1, 1), lambda i: (0, 0)),
            pl.BlockSpec((1, 1), lambda i: (0, 0)),
        ],
        out_shape=[
            jax.ShapeDtypeStruct((1, n), jnp.int32),
            jax.ShapeDtypeStruct((RADIAL_BINS, ANGULAR_BINS), jnp.float32),
            jax.ShapeDtypeStruct((1, 1), jnp.float32),
            jax.ShapeDtypeStruct((1, 1), jnp.float32),
            jax.ShapeDtypeStruct((RADIAL_BINS, ANGULAR_BINS), jnp.float32),
            jax.ShapeDtypeStruct((1, 1), jnp.float32),
            jax.ShapeDtypeStruct((1, 1), jnp.float32),
        ],
    )(flat, rc2d, aext)

    table = pl.pallas_call(
        _table_kernel,
        grid=(RADIAL_BINS,),
        in_specs=[
            pl.BlockSpec((RADIAL_BINS, 1), lambda i: (0, 0)),
            pl.BlockSpec((ANGULAR_BINS, E_DIM), lambda i: (0, 0)),
        ],
        out_specs=pl.BlockSpec((ANGULAR_BINS, E_DIM), lambda i: (i, 0)),
        out_shape=jax.ShapeDtypeStruct((N_E, E_DIM), jnp.float32),
    )(rc2d, a)

    info = plsc.get_sparse_core_info()
    nw = info.num_cores * info.num_subcores
    rows_per_w = n // nw
    z_q = _sc_zq_gather(rows_per_w, n, shape)(table, comb.reshape(n))
    return (loss[0, 0], z_q, perp[0, 0], div[0, 0], emean.reshape(N_E))

# --- scband reference (transcript-rebuilt; emitter-appended) ---
"""Pipeline reference for scband-vector-quantizer-14886356648663 (READ-ONLY COPY).

The authoritative reference and input builder live on the scoring server;
editing this copy changes nothing except your own understanding.
"""

import jax, jax.numpy as jnp
import numpy as np

N_E = 8192
E_DIM = 64
BETA = 0.25
RADIAL_BINS = 16
ANGULAR_BINS = N_E // RADIAL_BINS
MAX_RADIUS = 1.1
K = 1.0  # Lorentz curvature param (c=1.0)
TEMP = 5.0  # initial_temp buffer; > 1.5 so straight-through branch is taken


def _projx(x):
    space = x[..., 1:]
    t = jnp.sqrt(K + jnp.sum(space * space, axis=-1, keepdims=True))
    return jnp.concatenate([t, space], axis=-1)


def _lorentz_dist(x, y):
    inner = -x[..., 0] * y[..., 0] + jnp.sum(x[..., 1:] * y[..., 1:], axis=-1)
    arg = jnp.clip(-inner / K, 1.0 + 1e-7, None)
    return jnp.sqrt(K) * jnp.arccosh(arg)


def _poincare_to_lorentz(p):
    sq = jnp.sum(p * p, axis=-1, keepdims=True)
    denom = jnp.clip(1.0 - sq, 1e-7, None)
    t = (1.0 + sq) / denom
    space = 2.0 * p / denom
    return jnp.concatenate([t, space], axis=-1)


def _from_polar(r, w):
    return jnp.tanh(r / 2.0) * w


def _normalize(v):
    n = jnp.linalg.norm(v, axis=-1, keepdims=True)
    return v / jnp.clip(n, 1e-12, None)


def setup_inputs(seed: int = 0) -> dict:
    key = jax.random.key(seed)
    k1, k2, k3 = jax.random.split(key, 3)
    B, T = 64, 576
    raw = jax.random.normal(k1, (B, T, E_DIM), dtype=jnp.float32)
    # project randn onto the Lorentz hyperboloid (valid quantizer input)
    space = raw[..., 1:] * 0.1
    t = jnp.sqrt(1.0 + jnp.sum(space * space, axis=-1, keepdims=True))
    u_hyp = jnp.concatenate([t, space], axis=-1)
    # learned params sized per init_kwargs (same init scheme as torch module)
    r_lin = jnp.linspace(0.15, 1.2, RADIAL_BINS)
    noise = jax.random.normal(k2, (RADIAL_BINS,)) * 0.05 * (1.2 - 0.15)
    r_centres = jnp.clip(r_lin + noise, 0.15, 1.2).astype(jnp.float32)
    v = jax.random.normal(k3, (ANGULAR_BINS, E_DIM - 1), dtype=jnp.float32)
    angular_weight = _normalize(v)
    return {"u_hyp": u_hyp, "r_centres": r_centres, "angular_weight": angular_weight}


def reference(u_hyp, r_centres, angular_weight):
    shape = u_hyp.shape
    flat = u_hyp.reshape(-1, shape[-1])
    u_time = flat[:, 0:1]
    u_space = flat[:, 1:]
    r = jnp.arccosh(jnp.clip(u_time, 1.0 + 0.01, None))
    w = _normalize(u_space)
    rc = jnp.clip(r_centres, 0.01, MAX_RADIUS)
    top_k_r = min(3, RADIAL_BINS)
    top_k_w = min(5, ANGULAR_BINS)
    dist_r = jnp.abs(r - rc[None, :])
    _, top_r_indices = jax.lax.top_k(-dist_r, top_k_r)
    sim = w @ angular_weight.T
    _, top_w_indices = jax.lax.top_k(sim, top_k_w)
    n = flat.shape[0]
    best_dists = jnp.full((n,), jnp.inf, dtype=flat.dtype)
    best_r_idx = jnp.zeros((n,), dtype=jnp.int32)
    best_w_idx = jnp.zeros((n,), dtype=jnp.int32)
    for i in range(top_k_r):
        r_idx = top_r_indices[:, i]
        r_vals = rc[r_idx][:, None]
        for j in range(top_k_w):
            w_idx = top_w_indices[:, j]
            w_vals = angular_weight[w_idx]
            cand = _projx(_poincare_to_lorentz(_from_polar(r_vals, w_vals)))
            curr = _lorentz_dist(flat, cand)
            mask = curr < best_dists
            best_dists = jnp.where(mask, curr, best_dists)
            best_r_idx = jnp.where(mask, r_idx, best_r_idx)
            best_w_idx = jnp.where(mask, w_idx, best_w_idx)
    r_hard = rc[best_r_idx]
    w_hard = angular_weight[best_w_idx]
    x_q = _projx(_poincare_to_lorentz(_from_polar(r_hard[:, None], w_hard)))

    def tad(x, y):
        d = _lorentz_dist(x, y)
        rx = jnp.arccosh(jnp.clip(x[:, 0], 1.0 + 1e-5, None))
        ry = jnp.arccosh(jnp.clip(y[:, 0], 1.0 + 1e-5, None))
        return d + jnp.abs(rx - ry)

    sg = jax.lax.stop_gradient
    codebook_loss = jnp.mean(tad(sg(flat), x_q))
    commitment_loss = jnp.mean(tad(flat, sg(x_q)))
    loss = codebook_loss + BETA * commitment_loss
    # temp = 5.0 > 1.5 -> straight-through branch (computed under no_grad in torch)
    z_q_flat = sg(flat + (sg(x_q) - flat))
    z_q = _projx(z_q_flat.reshape(shape))
    combined = best_r_idx * ANGULAR_BINS + best_w_idx
    e_mean = jnp.bincount(combined, length=N_E).astype(jnp.float32) / n
    diversity_loss = -jnp.sum(e_mean * jnp.log(e_mean + 1e-10))
    perplexity = jnp.exp(diversity_loss)
    return (loss, z_q, perplexity, diversity_loss, e_mean)

if __name__ == "__main__":
    import jax
    _d = setup_inputs()
    print(jax.jit(kernel)(*tuple(_d.values())))

</pallas_src>

<mosaic_0001>
#map = affine_map<(d0, d1) -> (0, 0)>
#map1 = affine_map<(d0, d1) -> (0)>
#map2 = affine_map<(d0, d1) -> (0, 0, 0)>
module attributes {stable_mosaic.version = 14 : i64} {
  func.func @zq_gather(%arg0: i32, %arg1: i32, %arg2: memref<8192x64xf32, #tpu.memory_space<hbm>>, %arg3: memref<36864xi32, #tpu.memory_space<hbm>>, %arg4: memref<64x576x64xf32, #tpu.memory_space<hbm>>, %arg5: memref<9x128xi32, #tpu.memory_space<vmem>>, %arg6: memref<1152x64xf32, #tpu.memory_space<vmem>>, %arg7: memref<!tpu.dma_semaphore, #tpu.memory_space<semaphore_mem>>) attributes {dimension_semantics = [#tpu.dimension_semantics<core_parallel>, #tpu.dimension_semantics<subcore_parallel>], iteration_bounds = array<i64: 2, 16>, scalar_prefetch = 0 : i64, scratch_operands = 3 : i64, tpu.core_type = #tpu.core_type<sc_vector_subcore>, window_params = [{transform_indices = #map}, {transform_indices = #map1}, {transform_indices = #map2}]} {
    %mul3A = arith.constant 2 : i32
    %mul3A_0 = arith.muli %arg1, %mul3A : i32
    %add3A = arith.addi %mul3A_0, %arg0 : i32
    %mul3A_1 = arith.constant 1152 : i32
    %mul3A_2 = arith.muli %add3A, %mul3A_1 : i32
    %add3A_3 = arith.constant 0 : i32
    %add3A_4 = arith.addi %mul3A_2, %add3A_3 : i32
    %run_scoped3A = arith.constant 0 : i32
    "tpu.region"() ({
      %run_scoped3A_215 = tpu.sem_alloc : memref<!tpu.dma_semaphore, #tpu.memory_space<semaphore_mem>>
      %dma_start3A_216 = arith.constant 0 : i32
      %dma_start3A_217 = tpu.memref_slice %arg5[%run_scoped3A, %dma_start3A_216] : memref<9x128xi32, #tpu.memory_space<vmem>> -> memref<1x128xi32, #tpu.memory_space<vmem>>
      %dma_start3A_218 = tpu.memref_squeeze %dma_start3A_217 : memref<1x128xi32, #tpu.memory_space<vmem>> -> memref<128xi32, #tpu.memory_space<vmem>>
      %dma_start3A_219 = tpu.memref_slice %arg3[%add3A_4] : memref<36864xi32, #tpu.memory_space<hbm>> -> memref<128xi32, #tpu.memory_space<hbm>>
      %dma_start3A_220 = arith.constant 0 : i32
      %dma_start3A_221 = tpu.memref_slice %arg5[%run_scoped3A, %dma_start3A_220] : memref<9x128xi32, #tpu.memory_space<vmem>> -> memref<1x128xi32, #tpu.memory_space<vmem>>
      %dma_start3A_222 = tpu.memref_squeeze %dma_start3A_221 : memref<1x128xi32, #tpu.memory_space<vmem>> -> memref<128xi32, #tpu.memory_space<vmem>>
      %dma_start3A_223 = tpu.memref_slice %arg3[%add3A_4] : memref<36864xi32, #tpu.memory_space<hbm>> -> memref<128xi32, #tpu.memory_space<hbm>>
      tpu.enqueue_dma source(%dma_start3A_223 : memref<128xi32, #tpu.memory_space<hbm>>) target(%dma_start3A_222 : memref<128xi32, #tpu.memory_space<vmem>>) target_semaphore(%run_scoped3A_215 : memref<!tpu.dma_semaphore, #tpu.memory_space<semaphore_mem>>)
      %dma_wait3A_224 = arith.constant 0 : i32
      %dma_wait3A_225 = tpu.memref_slice %arg5[%run_scoped3A, %dma_wait3A_224] : memref<9x128xi32, #tpu.memory_space<vmem>> -> memref<1x128xi32, #tpu.memory_space<vmem>>
      %dma_wait3A_226 = tpu.memref_squeeze %dma_wait3A_225 : memref<1x128xi32, #tpu.memory_space<vmem>> -> memref<128xi32, #tpu.memory_space<vmem>>
      %dma_wait3A_227 = tpu.memref_slice %arg3[%add3A_4] : memref<36864xi32, #tpu.memory_space<hbm>> -> memref<128xi32, #tpu.memory_space<hbm>>
      %dma_wait3A_228 = arith.constant 0 : i32
      %dma_wait3A_229 = tpu.memref_slice %arg5[%run_scoped3A, %dma_wait3A_228] : memref<9x128xi32, #tpu.memory_space<vmem>> -> memref<1x128xi32, #tpu.memory_space<vmem>>
      %dma_wait3A_230 = tpu.memref_squeeze %dma_wait3A_229 : memref<1x128xi32, #tpu.memory_space<vmem>> -> memref<128xi32, #tpu.memory_space<vmem>>
      %dma_wait3A_231 = tpu.memref_slice %arg3[%add3A_4] : memref<36864xi32, #tpu.memory_space<hbm>> -> memref<128xi32, #tpu.memory_space<hbm>>
      tpu.wait_dma2 semaphore(%run_scoped3A_215 : memref<!tpu.dma_semaphore, #tpu.memory_space<semaphore_mem>>) src(%dma_wait3A_231 : memref<128xi32, #tpu.memory_space<hbm>>) dst(%dma_wait3A_230 : memref<128xi32, #tpu.memory_space<vmem>>)
      tpu.yield
    }) : () -> ()
    %add3A_5 = arith.constant 128 : i32
    %add3A_6 = arith.addi %mul3A_2, %add3A_5 : i32
    %run_scoped3A_7 = arith.constant 1 : i32
    "tpu.region"() ({
      %run_scoped3A_215 = tpu.sem_alloc : memref<!tpu.dma_semaphore, #tpu.memory_space<semaphore_mem>>
      %dma_start3A_216 = arith.constant 0 : i32
      %dma_start3A_217 = tpu.memref_slice %arg5[%run_scoped3A_7, %dma_start3A_216] : memref<9x128xi32, #tpu.memory_space<vmem>> -> memref<1x128xi32, #tpu.memory_space<vmem>>
      %dma_start3A_218 = tpu.memref_squeeze %dma_start3A_217 : memref<1x128xi32, #tpu.memory_space<vmem>> -> memref<128xi32, #tpu.memory_space<vmem>>
      %dma_start3A_219 = tpu.memref_slice %arg3[%add3A_6] : memref<36864xi32, #tpu.memory_space<hbm>> -> memref<128xi32, #tpu.memory_space<hbm>>
      %dma_start3A_220 = arith.constant 0 : i32
      %dma_start3A_221 = tpu.memref_slice %arg5[%run_scoped3A_7, %dma_start3A_220] : memref<9x128xi32, #tpu.memory_space<vmem>> -> memref<1x128xi32, #tpu.memory_space<vmem>>
      %dma_start3A_222 = tpu.memref_squeeze %dma_start3A_221 : memref<1x128xi32, #tpu.memory_space<vmem>> -> memref<128xi32, #tpu.memory_space<vmem>>
      %dma_start3A_223 = tpu.memref_slice %arg3[%add3A_6] : memref<36864xi32, #tpu.memory_space<hbm>> -> memref<128xi32, #tpu.memory_space<hbm>>
      tpu.enqueue_dma source(%dma_start3A_223 : memref<128xi32, #tpu.memory_space<hbm>>) target(%dma_start3A_222 : memref<128xi32, #tpu.memory_space<vmem>>) target_semaphore(%run_scoped3A_215 : memref<!tpu.dma_semaphore, #tpu.memory_space<semaphore_mem>>)
      %dma_wait3A_224 = arith.constant 0 : i32
      %dma_wait3A_225 = tpu.memref_slice %arg5[%run_scoped3A_7, %dma_wait3A_224] : memref<9x128xi32, #tpu.memory_space<vmem>> -> memref<1x128xi32, #tpu.memory_space<vmem>>
      %dma_wait3A_226 = tpu.memref_squeeze %dma_wait3A_225 : memref<1x128xi32, #tpu.memory_space<vmem>> -> memref<128xi32, #tpu.memory_space<vmem>>
      %dma_wait3A_227 = tpu.memref_slice %arg3[%add3A_6] : memref<36864xi32, #tpu.memory_space<hbm>> -> memref<128xi32, #tpu.memory_space<hbm>>
      %dma_wait3A_228 = arith.constant 0 : i32
      %dma_wait3A_229 = tpu.memref_slice %arg5[%run_scoped3A_7, %dma_wait3A_228] : memref<9x128xi32, #tpu.memory_space<vmem>> -> memref<1x128xi32, #tpu.memory_space<vmem>>
      %dma_wait3A_230 = tpu.memref_squeeze %dma_wait3A_229 : memref<1x128xi32, #tpu.memory_space<vmem>> -> memref<128xi32, #tpu.memory_space<vmem>>
      %dma_wait3A_231 = tpu.memref_slice %arg3[%add3A_6] : memref<36864xi32, #tpu.memory_space<hbm>> -> memref<128xi32, #tpu.memory_space<hbm>>
      tpu.wait_dma2 semaphore(%run_scoped3A_215 : memref<!tpu.dma_semaphore, #tpu.memory_space<semaphore_mem>>) src(%dma_wait3A_231 : memref<128xi32, #tpu.memory_space<hbm>>) dst(%dma_wait3A_230 : memref<128xi32, #tpu.memory_space<vmem>>)
      tpu.yield
    }) : () -> ()
    %add3A_8 = arith.constant 256 : i32
    %add3A_9 = arith.addi %mul3A_2, %add3A_8 : i32
    %run_scoped3A_10 = arith.constant 2 : i32
    "tpu.region"() ({
      %run_scoped3A_215 = tpu.sem_alloc : memref<!tpu.dma_semaphore, #tpu.memory_space<semaphore_mem>>
      %dma_start3A_216 = arith.constant 0 : i32
      %dma_start3A_217 = tpu.memref_slice %arg5[%run_scoped3A_10, %dma_start3A_216] : memref<9x128xi32, #tpu.memory_space<vmem>> -> memref<1x128xi32, #tpu.memory_space<vmem>>
      %dma_start3A_218 = tpu.memref_squeeze %dma_start3A_217 : memref<1x128xi32, #tpu.memory_space<vmem>> -> memref<128xi32, #tpu.memory_space<vmem>>
      %dma_start3A_219 = tpu.memref_slice %arg3[%add3A_9] : memref<36864xi32, #tpu.memory_space<hbm>> -> memref<128xi32, #tpu.memory_space<hbm>>
      %dma_start3A_220 = arith.constant 0 : i32
      %dma_start3A_221 = tpu.memref_slice %arg5[%run_scoped3A_10, %dma_start3A_220] : memref<9x128xi32, #tpu.memory_space<vmem>> -> memref<1x128xi32, #tpu.memory_space<vmem>>
      %dma_start3A_222 = tpu.memref_squeeze %dma_start3A_221 : memref<1x128xi32, #tpu.memory_space<vmem>> -> memref<128xi32, #tpu.memory_space<vmem>>
      %dma_start3A_223 = tpu.memref_slice %arg3[%add3A_9] : memref<36864xi32, #tpu.memory_space<hbm>> -> memref<128xi32, #tpu.memory_space<hbm>>
      tpu.enqueue_dma source(%dma_start3A_223 : memref<128xi32, #tpu.memory_space<hbm>>) target(%dma_start3A_222 : memref<128xi32, #tpu.memory_space<vmem>>) target_semaphore(%run_scoped3A_215 : memref<!tpu.dma_semaphore, #tpu.memory_space<semaphore_mem>>)
      %dma_wait3A_224 = arith.constant 0 : i32
      %dma_wait3A_225 = tpu.memref_slice %arg5[%run_scoped3A_10, %dma_wait3A_224] : memref<9x128xi32, #tpu.memory_space<vmem>> -> memref<1x128xi32, #tpu.memory_space<vmem>>
      %dma_wait3A_226 = tpu.memref_squeeze %dma_wait3A_225 : memref<1x128xi32, #tpu.memory_space<vmem>> -> memref<128xi32, #tpu.memory_space<vmem>>
      %dma_wait3A_227 = tpu.memref_slice %arg3[%add3A_9] : memref<36864xi32, #tpu.memory_space<hbm>> -> memref<128xi32, #tpu.memory_space<hbm>>
      %dma_wait3A_228 = arith.constant 0 : i32
      %dma_wait3A_229 = tpu.memref_slice %arg5[%run_scoped3A_10, %dma_wait3A_228] : memref<9x128xi32, #tpu.memory_space<vmem>> -> memref<1x128xi32, #tpu.memory_space<vmem>>
      %dma_wait3A_230 = tpu.memref_squeeze %dma_wait3A_229 : memref<1x128xi32, #tpu.memory_space<vmem>> -> memref<128xi32, #tpu.memory_space<vmem>>
      %dma_wait3A_231 = tpu.memref_slice %arg3[%add3A_9] : memref<36864xi32, #tpu.memory_space<hbm>> -> memref<128xi32, #tpu.memory_space<hbm>>
      tpu.wait_dma2 semaphore(%run_scoped3A_215 : memref<!tpu.dma_semaphore, #tpu.memory_space<semaphore_mem>>) src(%dma_wait3A_231 : memref<128xi32, #tpu.memory_space<hbm>>) dst(%dma_wait3A_230 : memref<128xi32, #tpu.memory_space<vmem>>)
      tpu.yield
    }) : () -> ()
    %add3A_11 = arith.constant 384 : i32
    %add3A_12 = arith.addi %mul3A_2, %add3A_11 : i32
    %run_scoped3A_13 = arith.constant 3 : i32
    "tpu.region"() ({
      %run_scoped3A_215 = tpu.sem_alloc : memref<!tpu.dma_semaphore, #tpu.memory_space<semaphore_mem>>
      %dma_start3A_216 = arith.constant 0 : i32
      %dma_start3A_217 = tpu.memref_slice %arg5[%run_scoped3A_13, %dma_start3A_216] : memref<9x128xi32, #tpu.memory_space<vmem>> -> memref<1x128xi32, #tpu.memory_space<vmem>>
      %dma_start3A_218 = tpu.memref_squeeze %dma_start3A_217 : memref<1x128xi32, #tpu.memory_space<vmem>> -> memref<128xi32, #tpu.memory_space<vmem>>
      %dma_start3A_219 = tpu.memref_slice %arg3[%add3A_12] : memref<36864xi32, #tpu.memory_space<hbm>> -> memref<128xi32, #tpu.memory_space<hbm>>
      %dma_start3A_220 = arith.constant 0 : i32
      %dma_start3A_221 = tpu.memref_slice %arg5[%run_scoped3A_13, %dma_start3A_220] : memref<9x128xi32, #tpu.memory_space<vmem>> -> memref<1x128xi32, #tpu.memory_space<vmem>>
      %dma_start3A_222 = tpu.memref_squeeze %dma_start3A_221 : memref<1x128xi32, #tpu.memory_space<vmem>> -> memref<128xi32, #tpu.memory_space<vmem>>
      %dma_start3A_223 = tpu.memref_slice %arg3[%add3A_12] : memref<36864xi32, #tpu.memory_space<hbm>> -> memref<128xi32, #tpu.memory_space<hbm>>
      tpu.enqueue_dma source(%dma_start3A_223 : memref<128xi32, #tpu.memory_space<hbm>>) target(%dma_start3A_222 : memref<128xi32, #tpu.memory_space<vmem>>) target_semaphore(%run_scoped3A_215 : memref<!tpu.dma_semaphore, #tpu.memory_space<semaphore_mem>>)
      %dma_wait3A_224 = arith.constant 0 : i32
      %dma_wait3A_225 = tpu.memref_slice %arg5[%run_scoped3A_13, %dma_wait3A_224] : memref<9x128xi32, #tpu.memory_space<vmem>> -> memref<1x128xi32, #tpu.memory_space<vmem>>
      %dma_wait3A_226 = tpu.memref_squeeze %dma_wait3A_225 : memref<1x128xi32, #tpu.memory_space<vmem>> -> memref<128xi32, #tpu.memory_space<vmem>>
      %dma_wait3A_227 = tpu.memref_slice %arg3[%add3A_12] : memref<36864xi32, #tpu.memory_space<hbm>> -> memref<128xi32, #tpu.memory_space<hbm>>
      %dma_wait3A_228 = arith.constant 0 : i32
      %dma_wait3A_229 = tpu.memref_slice %arg5[%run_scoped3A_13, %dma_wait3A_228] : memref<9x128xi32, #tpu.memory_space<vmem>> -> memref<1x128xi32, #tpu.memory_space<vmem>>
      %dma_wait3A_230 = tpu.memref_squeeze %dma_wait3A_229 : memref<1x128xi32, #tpu.memory_space<vmem>> -> memref<128xi32, #tpu.memory_space<vmem>>
      %dma_wait3A_231 = tpu.memref_slice %arg3[%add3A_12] : memref<36864xi32, #tpu.memory_space<hbm>> -> memref<128xi32, #tpu.memory_space<hbm>>
      tpu.wait_dma2 semaphore(%run_scoped3A_215 : memref<!tpu.dma_semaphore, #tpu.memory_space<semaphore_mem>>) src(%dma_wait3A_231 : memref<128xi32, #tpu.memory_space<hbm>>) dst(%dma_wait3A_230 : memref<128xi32, #tpu.memory_space<vmem>>)
      tpu.yield
    }) : () -> ()
    %add3A_14 = arith.constant 512 : i32
    %add3A_15 = arith.addi %mul3A_2, %add3A_14 : i32
    %run_scoped3A_16 = arith.constant 4 : i32
    "tpu.region"() ({
      %run_scoped3A_215 = tpu.sem_alloc : memref<!tpu.dma_semaphore, #tpu.memory_space<semaphore_mem>>
      %dma_start3A_216 = arith.constant 0 : i32
      %dma_start3A_217 = tpu.memref_slice %arg5[%run_scoped3A_16, %dma_start3A_216] : memref<9x128xi32, #tpu.memory_space<vmem>> -> memref<1x128xi32, #tpu.memory_space<vmem>>
      %dma_start3A_218 = tpu.memref_squeeze %dma_start3A_217 : memref<1x128xi32, #tpu.memory_space<vmem>> -> memref<128xi32, #tpu.memory_space<vmem>>
      %dma_start3A_219 = tpu.memref_slice %arg3[%add3A_15] : memref<36864xi32, #tpu.memory_space<hbm>> -> memref<128xi32, #tpu.memory_space<hbm>>
      %dma_start3A_220 = arith.constant 0 : i32
      %dma_start3A_221 = tpu.memref_slice %arg5[%run_scoped3A_16, %dma_start3A_220] : memref<9x128xi32, #tpu.memory_space<vmem>> -> memref<1x128xi32, #tpu.memory_space<vmem>>
      %dma_start3A_222 = tpu.memref_squeeze %dma_start3A_221 : memref<1x128xi32, #tpu.memory_space<vmem>> -> memref<128xi32, #tpu.memory_space<vmem>>
      %dma_start3A_223 = tpu.memref_slice %arg3[%add3A_15] : memref<36864xi32, #tpu.memory_space<hbm>> -> memref<128xi32, #tpu.memory_space<hbm>>
      tpu.enqueue_dma source(%dma_start3A_223 : memref<128xi32, #tpu.memory_space<hbm>>) target(%dma_start3A_222 : memref<128xi32, #tpu.memory_space<vmem>>) target_semaphore(%run_scoped3A_215 : memref<!tpu.dma_semaphore, #tpu.memory_space<semaphore_mem>>)
      %dma_wait3A_224 = arith.constant 0 : i32
      %dma_wait3A_225 = tpu.memref_slice %arg5[%run_scoped3A_16, %dma_wait3A_224] : memref<9x128xi32, #tpu.memory_space<vmem>> -> memref<1x128xi32, #tpu.memory_space<vmem>>
      %dma_wait3A_226 = tpu.memref_squeeze %dma_wait3A_225 : memref<1x128xi32, #tpu.memory_space<vmem>> -> memref<128xi32, #tpu.memory_space<vmem>>
      %dma_wait3A_227 = tpu.memref_slice %arg3[%add3A_15] : memref<36864xi32, #tpu.memory_space<hbm>> -> memref<128xi32, #tpu.memory_space<hbm>>
      %dma_wait3A_228 = arith.constant 0 : i32
      %dma_wait3A_229 = tpu.memref_slice %arg5[%run_scoped3A_16, %dma_wait3A_228] : memref<9x128xi32, #tpu.memory_space<vmem>> -> memref<1x128xi32, #tpu.memory_space<vmem>>
      %dma_wait3A_230 = tpu.memref_squeeze %dma_wait3A_229 : memref<1x128xi32, #tpu.memory_space<vmem>> -> memref<128xi32, #tpu.memory_space<vmem>>
      %dma_wait3A_231 = tpu.memref_slice %arg3[%add3A_15] : memref<36864xi32, #tpu.memory_space<hbm>> -> memref<128xi32, #tpu.memory_space<hbm>>
      tpu.wait_dma2 semaphore(%run_scoped3A_215 : memref<!tpu.dma_semaphore, #tpu.memory_space<semaphore_mem>>) src(%dma_wait3A_231 : memref<128xi32, #tpu.memory_space<hbm>>) dst(%dma_wait3A_230 : memref<128xi32, #tpu.memory_space<vmem>>)
      tpu.yield
    }) : () -> ()
    %add3A_17 = arith.constant 640 : i32
    %add3A_18 = arith.addi %mul3A_2, %add3A_17 : i32
    %run_scoped3A_19 = arith.constant 5 : i32
    "tpu.region"() ({
      %run_scoped3A_215 = tpu.sem_alloc : memref<!tpu.dma_semaphore, #tpu.memory_space<semaphore_mem>>
      %dma_start3A_216 = arith.constant 0 : i32
      %dma_start3A_217 = tpu.memref_slice %arg5[%run_scoped3A_19, %dma_start3A_216] : memref<9x128xi32, #tpu.memory_space<vmem>> -> memref<1x128xi32, #tpu.memory_space<vmem>>
      %dma_start3A_218 = tpu.memref_squeeze %dma_start3A_217 : memref<1x128xi32, #tpu.memory_space<vmem>> -> memref<128xi32, #tpu.memory_space<vmem>>
      %dma_start3A_219 = tpu.memref_slice %arg3[%add3A_18] : memref<36864xi32, #tpu.memory_space<hbm>> -> memref<128xi32, #tpu.memory_space<hbm>>
      %dma_start3A_220 = arith.constant 0 : i32
      %dma_start3A_221 = tpu.memref_slice %arg5[%run_scoped3A_19, %dma_start3A_220] : memref<9x128xi32, #tpu.memory_space<vmem>> -> memref<1x128xi32, #tpu.memory_space<vmem>>
      %dma_start3A_222 = tpu.memref_squeeze %dma_start3A_221 : memref<1x128xi32, #tpu.memory_space<vmem>> -> memref<128xi32, #tpu.memory_space<vmem>>
      %dma_start3A_223 = tpu.memref_slice %arg3[%add3A_18] : memref<36864xi32, #tpu.memory_space<hbm>> -> memref<128xi32, #tpu.memory_space<hbm>>
      tpu.enqueue_dma source(%dma_start3A_223 : memref<128xi32, #tpu.memory_space<hbm>>) target(%dma_start3A_222 : memref<128xi32, #tpu.memory_space<vmem>>) target_semaphore(%run_scoped3A_215 : memref<!tpu.dma_semaphore, #tpu.memory_space<semaphore_mem>>)
      %dma_wait3A_224 = arith.constant 0 : i32
      %dma_wait3A_225 = tpu.memref_slice %arg5[%run_scoped3A_19, %dma_wait3A_224] : memref<9x128xi32, #tpu.memory_space<vmem>> -> memref<1x128xi32, #tpu.memory_space<vmem>>
      %dma_wait3A_226 = tpu.memref_squeeze %dma_wait3A_225 : memref<1x128xi32, #tpu.memory_space<vmem>> -> memref<128xi32, #tpu.memory_space<vmem>>
      %dma_wait3A_227 = tpu.memref_slice %arg3[%add3A_18] : memref<36864xi32, #tpu.memory_space<hbm>> -> memref<128xi32, #tpu.memory_space<hbm>>
      %dma_wait3A_228 = arith.constant 0 : i32
      %dma_wait3A_229 = tpu.memref_slice %arg5[%run_scoped3A_19, %dma_wait3A_228] : memref<9x128xi32, #tpu.memory_space<vmem>> -> memref<1x128xi32, #tpu.memory_space<vmem>>
      %dma_wait3A_230 = tpu.memref_squeeze %dma_wait3A_229 : memref<1x128xi32, #tpu.memory_space<vmem>> -> memref<128xi32, #tpu.memory_space<vmem>>
      %dma_wait3A_231 = tpu.memref_slice %arg3[%add3A_18] : memref<36864xi32, #tpu.memory_space<hbm>> -> memref<128xi32, #tpu.memory_space<hbm>>
      tpu.wait_dma2 semaphore(%run_scoped3A_215 : memref<!tpu.dma_semaphore, #tpu.memory_space<semaphore_mem>>) src(%dma_wait3A_231 : memref<128xi32, #tpu.memory_space<hbm>>) dst(%dma_wait3A_230 : memref<128xi32, #tpu.memory_space<vmem>>)
      tpu.yield
    }) : () -> ()
    %add3A_20 = arith.constant 768 : i32
    %add3A_21 = arith.addi %mul3A_2, %add3A_20 : i32
    %run_scoped3A_22 = arith.constant 6 : i32
    "tpu.region"() ({
      %run_scoped3A_215 = tpu.sem_alloc : memref<!tpu.dma_semaphore, #tpu.memory_space<semaphore_mem>>
      %dma_start3A_216 = arith.constant 0 : i32
      %dma_start3A_217 = tpu.memref_slice %arg5[%run_scoped3A_22, %dma_start3A_216] : memref<9x128xi32, #tpu.memory_space<vmem>> -> memref<1x128xi32, #tpu.memory_space<vmem>>
      %dma_start3A_218 = tpu.memref_squeeze %dma_start3A_217 : memref<1x128xi32, #tpu.memory_space<vmem>> -> memref<128xi32, #tpu.memory_space<vmem>>
      %dma_start3A_219 = tpu.memref_slice %arg3[%add3A_21] : memref<36864xi32, #tpu.memory_space<hbm>> -> memref<128xi32, #tpu.memory_space<hbm>>
      %dma_start3A_220 = arith.constant 0 : i32
      %dma_start3A_221 = tpu.memref_slice %arg5[%run_scoped3A_22, %dma_start3A_220] : memref<9x128xi32, #tpu.memory_space<vmem>> -> memref<1x128xi32, #tpu.memory_space<vmem>>
      %dma_start3A_222 = tpu.memref_squeeze %dma_start3A_221 : memref<1x128xi32, #tpu.memory_space<vmem>> -> memref<128xi32, #tpu.memory_space<vmem>>
      %dma_start3A_223 = tpu.memref_slice %arg3[%add3A_21] : memref<36864xi32, #tpu.memory_space<hbm>> -> memref<128xi32, #tpu.memory_space<hbm>>
      tpu.enqueue_dma source(%dma_start3A_223 : memref<128xi32, #tpu.memory_space<hbm>>) target(%dma_start3A_222 : memref<128xi32, #tpu.memory_space<vmem>>) target_semaphore(%run_scoped3A_215 : memref<!tpu.dma_semaphore, #tpu.memory_space<semaphore_mem>>)
      %dma_wait3A_224 = arith.constant 0 : i32
      %dma_wait3A_225 = tpu.memref_slice %arg5[%run_scoped3A_22, %dma_wait3A_224] : memref<9x128xi32, #tpu.memory_space<vmem>> -> memref<1x128xi32, #tpu.memory_space<vmem>>
      %dma_wait3A_226 = tpu.memref_squeeze %dma_wait3A_225 : memref<1x128xi32, #tpu.memory_space<vmem>> -> memref<128xi32, #tpu.memory_space<vmem>>
      %dma_wait3A_227 = tpu.memref_slice %arg3[%add3A_21] : memref<36864xi32, #tpu.memory_space<hbm>> -> memref<128xi32, #tpu.memory_space<hbm>>
      %dma_wait3A_228 = arith.constant 0 : i32
      %dma_wait3A_229 = tpu.memref_slice %arg5[%run_scoped3A_22, %dma_wait3A_228] : memref<9x128xi32, #tpu.memory_space<vmem>> -> memref<1x128xi32, #tpu.memory_space<vmem>>
      %dma_wait3A_230 = tpu.memref_squeeze %dma_wait3A_229 : memref<1x128xi32, #tpu.memory_space<vmem>> -> memref<128xi32, #tpu.memory_space<vmem>>
      %dma_wait3A_231 = tpu.memref_slice %arg3[%add3A_21] : memref<36864xi32, #tpu.memory_space<hbm>> -> memref<128xi32, #tpu.memory_space<hbm>>
      tpu.wait_dma2 semaphore(%run_scoped3A_215 : memref<!tpu.dma_semaphore, #tpu.memory_space<semaphore_mem>>) src(%dma_wait3A_231 : memref<128xi32, #tpu.memory_space<hbm>>) dst(%dma_wait3A_230 : memref<128xi32, #tpu.memory_space<vmem>>)
      tpu.yield
    }) : () -> ()
    %add3A_23 = arith.constant 896 : i32
    %add3A_24 = arith.addi %mul3A_2, %add3A_23 : i32
    %run_scoped3A_25 = arith.constant 7 : i32
    "tpu.region"() ({
      %run_scoped3A_215 = tpu.sem_alloc : memref<!tpu.dma_semaphore, #tpu.memory_space<semaphore_mem>>
      %dma_start3A_216 = arith.constant 0 : i32
      %dma_start3A_217 = tpu.memref_slice %arg5[%run_scoped3A_25, %dma_start3A_216] : memref<9x128xi32, #tpu.memory_space<vmem>> -> memref<1x128xi32, #tpu.memory_space<vmem>>
      %dma_start3A_218 = tpu.memref_squeeze %dma_start3A_217 : memref<1x128xi32, #tpu.memory_space<vmem>> -> memref<128xi32, #tpu.memory_space<vmem>>
      %dma_start3A_219 = tpu.memref_slice %arg3[%add3A_24] : memref<36864xi32, #tpu.memory_space<hbm>> -> memref<128xi32, #tpu.memory_space<hbm>>
      %dma_start3A_220 = arith.constant 0 : i32
      %dma_start3A_221 = tpu.memref_slice %arg5[%run_scoped3A_25, %dma_start3A_220] : memref<9x128xi32, #tpu.memory_space<vmem>> -> memref<1x128xi32, #tpu.memory_space<vmem>>
      %dma_start3A_222 = tpu.memref_squeeze %dma_start3A_221 : memref<1x128xi32, #tpu.memory_space<vmem>> -> memref<128xi32, #tpu.memory_space<vmem>>
      %dma_start3A_223 = tpu.memref_slice %arg3[%add3A_24] : memref<36864xi32, #tpu.memory_space<hbm>> -> memref<128xi32, #tpu.memory_space<hbm>>
      tpu.enqueue_dma source(%dma_start3A_223 : memref<128xi32, #tpu.memory_space<hbm>>) target(%dma_start3A_222 : memref<128xi32, #tpu.memory_space<vmem>>) target_semaphore(%run_scoped3A_215 : memref<!tpu.dma_semaphore, #tpu.memory_space<semaphore_mem>>)
      %dma_wait3A_224 = arith.constant 0 : i32
      %dma_wait3A_225 = tpu.memref_slice %arg5[%run_scoped3A_25, %dma_wait3A_224] : memref<9x128xi32, #tpu.memory_space<vmem>> -> memref<1x128xi32, #tpu.memory_space<vmem>>
      %dma_wait3A_226 = tpu.memref_squeeze %dma_wait3A_225 : memref<1x128xi32, #tpu.memory_space<vmem>> -> memref<128xi32, #tpu.memory_space<vmem>>
      %dma_wait3A_227 = tpu.memref_slice %arg3[%add3A_24] : memref<36864xi32, #tpu.memory_space<hbm>> -> memref<128xi32, #tpu.memory_space<hbm>>
      %dma_wait3A_228 = arith.constant 0 : i32
      %dma_wait3A_229 = tpu.memref_slice %arg5[%run_scoped3A_25, %dma_wait3A_228] : memref<9x128xi32, #tpu.memory_space<vmem>> -> memref<1x128xi32, #tpu.memory_space<vmem>>
      %dma_wait3A_230 = tpu.memref_squeeze %dma_wait3A_229 : memref<1x128xi32, #tpu.memory_space<vmem>> -> memref<128xi32, #tpu.memory_space<vmem>>
      %dma_wait3A_231 = tpu.memref_slice %arg3[%add3A_24] : memref<36864xi32, #tpu.memory_space<hbm>> -> memref<128xi32, #tpu.memory_space<hbm>>
      tpu.wait_dma2 semaphore(%run_scoped3A_215 : memref<!tpu.dma_semaphore, #tpu.memory_space<semaphore_mem>>) src(%dma_wait3A_231 : memref<128xi32, #tpu.memory_space<hbm>>) dst(%dma_wait3A_230 : memref<128xi32, #tpu.memory_space<vmem>>)
      tpu.yield
    }) : () -> ()
    %add3A_26 = arith.constant 1024 : i32
    %add3A_27 = arith.addi %mul3A_2, %add3A_26 : i32
    %run_scoped3A_28 = arith.constant 8 : i32
    "tpu.region"() ({
      %run_scoped3A_215 = tpu.sem_alloc : memref<!tpu.dma_semaphore, #tpu.memory_space<semaphore_mem>>
      %dma_start3A_216 = arith.constant 0 : i32
      %dma_start3A_217 = tpu.memref_slice %arg5[%run_scoped3A_28, %dma_start3A_216] : memref<9x128xi32, #tpu.memory_space<vmem>> -> memref<1x128xi32, #tpu.memory_space<vmem>>
      %dma_start3A_218 = tpu.memref_squeeze %dma_start3A_217 : memref<1x128xi32, #tpu.memory_space<vmem>> -> memref<128xi32, #tpu.memory_space<vmem>>
      %dma_start3A_219 = tpu.memref_slice %arg3[%add3A_27] : memref<36864xi32, #tpu.memory_space<hbm>> -> memref<128xi32, #tpu.memory_space<hbm>>
      %dma_start3A_220 = arith.constant 0 : i32
      %dma_start3A_221 = tpu.memref_slice %arg5[%run_scoped3A_28, %dma_start3A_220] : memref<9x128xi32, #tpu.memory_space<vmem>> -> memref<1x128xi32, #tpu.memory_space<vmem>>
      %dma_start3A_222 = tpu.memref_squeeze %dma_start3A_221 : memref<1x128xi32, #tpu.memory_space<vmem>> -> memref<128xi32, #tpu.memory_space<vmem>>
      %dma_start3A_223 = tpu.memref_slice %arg3[%add3A_27] : memref<36864xi32, #tpu.memory_space<hbm>> -> memref<128xi32, #tpu.memory_space<hbm>>
      tpu.enqueue_dma source(%dma_start3A_223 : memref<128xi32, #tpu.memory_space<hbm>>) target(%dma_start3A_222 : memref<128xi32, #tpu.memory_space<vmem>>) target_semaphore(%run_scoped3A_215 : memref<!tpu.dma_semaphore, #tpu.memory_space<semaphore_mem>>)
      %dma_wait3A_224 = arith.constant 0 : i32
      %dma_wait3A_225 = tpu.memref_slice %arg5[%run_scoped3A_28, %dma_wait3A_224] : memref<9x128xi32, #tpu.memory_space<vmem>> -> memref<1x128xi32, #tpu.memory_space<vmem>>
      %dma_wait3A_226 = tpu.memref_squeeze %dma_wait3A_225 : memref<1x128xi32, #tpu.memory_space<vmem>> -> memref<128xi32, #tpu.memory_space<vmem>>
      %dma_wait3A_227 = tpu.memref_slice %arg3[%add3A_27] : memref<36864xi32, #tpu.memory_space<hbm>> -> memref<128xi32, #tpu.memory_space<hbm>>
      %dma_wait3A_228 = arith.constant 0 : i32
      %dma_wait3A_229 = tpu.memref_slice %arg5[%run_scoped3A_28, %dma_wait3A_228] : memref<9x128xi32, #tpu.memory_space<vmem>> -> memref<1x128xi32, #tpu.memory_space<vmem>>
      %dma_wait3A_230 = tpu.memref_squeeze %dma_wait3A_229 : memref<1x128xi32, #tpu.memory_space<vmem>> -> memref<128xi32, #tpu.memory_space<vmem>>
      %dma_wait3A_231 = tpu.memref_slice %arg3[%add3A_27] : memref<36864xi32, #tpu.memory_space<hbm>> -> memref<128xi32, #tpu.memory_space<hbm>>
      tpu.wait_dma2 semaphore(%run_scoped3A_215 : memref<!tpu.dma_semaphore, #tpu.memory_space<semaphore_mem>>) src(%dma_wait3A_231 : memref<128xi32, #tpu.memory_space<hbm>>) dst(%dma_wait3A_230 : memref<128xi32, #tpu.memory_space<vmem>>)
      tpu.yield
    }) : () -> ()
    %dma_start3A = arith.constant 0 : i32
    %dma_start3A_29 = arith.constant 0 : i32
    %dma_start3A_30 = arith.constant 0 : i32
    %dma_start3A_31 = tpu.memref_slice %arg6[%dma_start3A_29, %dma_start3A_30] : memref<1152x64xf32, #tpu.memory_space<vmem>> -> memref<128x64xf32, #tpu.memory_space<vmem>>
    %dma_start3A_32 = arith.constant 0 : i32
    %dma_start3A_33 = tpu.memref_slice %arg5[%dma_start3A, %dma_start3A_32] : memref<9x128xi32, #tpu.memory_space<vmem>> -> memref<1x128xi32, #tpu.memory_space<vmem>>
    %dma_start3A_34 = tpu.memref_squeeze %dma_start3A_33 : memref<1x128xi32, #tpu.memory_space<vmem>> -> memref<128xi32, #tpu.memory_space<vmem>>
    %dma_start3A_35 = arith.constant 0 : i32
    %dma_start3A_36 = arith.constant 0 : i32
    %dma_start3A_37 = tpu.memref_slice %arg2[%dma_start3A_35, %dma_start3A_36] : memref<8192x64xf32, #tpu.memory_space<hbm>> -> memref<8192x64xf32, #tpu.memory_space<hbm>>
    tpu.enqueue_indirect_dma source(%dma_start3A_37 : memref<8192x64xf32, #tpu.memory_space<hbm>>) target(%dma_start3A_31 : memref<128x64xf32, #tpu.memory_space<vmem>>) offsets(%dma_start3A_34 : memref<128xi32, #tpu.memory_space<vmem>>) semaphore(%arg7 : memref<!tpu.dma_semaphore, #tpu.memory_space<semaphore_mem>>)
    %dma_start3A_38 = arith.constant 1 : i32
    %dma_start3A_39 = arith.constant 128 : i32
    %dma_start3A_40 = arith.constant 0 : i32
    %dma_start3A_41 = tpu.memref_slice %arg6[%dma_start3A_39, %dma_start3A_40] : memref<1152x64xf32, #tpu.memory_space<vmem>> -> memref<128x64xf32, #tpu.memory_space<vmem>>
    %dma_start3A_42 = arith.constant 0 : i32
    %dma_start3A_43 = tpu.memref_slice %arg5[%dma_start3A_38, %dma_start3A_42] : memref<9x128xi32, #tpu.memory_space<vmem>> -> memref<1x128xi32, #tpu.memory_space<vmem>>
    %dma_start3A_44 = tpu.memref_squeeze %dma_start3A_43 : memref<1x128xi32, #tpu.memory_space<vmem>> -> memref<128xi32, #tpu.memory_space<vmem>>
    %dma_start3A_45 = arith.constant 0 : i32
    %dma_start3A_46 = arith.constant 0 : i32
    %dma_start3A_47 = tpu.memref_slice %arg2[%dma_start3A_45, %dma_start3A_46] : memref<8192x64xf32, #tpu.memory_space<hbm>> -> memref<8192x64xf32, #tpu.memory_space<hbm>>
    tpu.enqueue_indirect_dma source(%dma_start3A_47 : memref<8192x64xf32, #tpu.memory_space<hbm>>) target(%dma_start3A_41 : memref<128x64xf32, #tpu.memory_space<vmem>>) offsets(%dma_start3A_44 : memref<128xi32, #tpu.memory_space<vmem>>) semaphore(%arg7 : memref<!tpu.dma_semaphore, #tpu.memory_space<semaphore_mem>>)
    %dma_start3A_48 = arith.constant 2 : i32
    %dma_start3A_49 = arith.constant 256 : i32
    %dma_start3A_50 = arith.constant 0 : i32
    %dma_start3A_51 = tpu.memref_slice %arg6[%dma_start3A_49, %dma_start3A_50] : memref<1152x64xf32, #tpu.memory_space<vmem>> -> memref<128x64xf32, #tpu.memory_space<vmem>>
    %dma_start3A_52 = arith.constant 0 : i32
    %dma_start3A_53 = tpu.memref_slice %arg5[%dma_start3A_48, %dma_start3A_52] : memref<9x128xi32, #tpu.memory_space<vmem>> -> memref<1x128xi32, #tpu.memory_space<vmem>>
    %dma_start3A_54 = tpu.memref_squeeze %dma_start3A_53 : memref<1x128xi32, #tpu.memory_space<vmem>> -> memref<128xi32, #tpu.memory_space<vmem>>
    %dma_start3A_55 = arith.constant 0 : i32
    %dma_start3A_56 = arith.constant 0 : i32
    %dma_start3A_57 = tpu.memref_slice %arg2[%dma_start3A_55, %dma_start3A_56] : memref<8192x64xf32, #tpu.memory_space<hbm>> -> memref<8192x64xf32, #tpu.memory_space<hbm>>
    tpu.enqueue_indirect_dma source(%dma_start3A_57 : memref<8192x64xf32, #tpu.memory_space<hbm>>) target(%dma_start3A_51 : memref<128x64xf32, #tpu.memory_space<vmem>>) offsets(%dma_start3A_54 : memref<128xi32, #tpu.memory_space<vmem>>) semaphore(%arg7 : memref<!tpu.dma_semaphore, #tpu.memory_space<semaphore_mem>>)
    %dma_start3A_58 = arith.constant 3 : i32
    %dma_start3A_59 = arith.constant 384 : i32
    %dma_start3A_60 = arith.constant 0 : i32
    %dma_start3A_61 = tpu.memref_slice %arg6[%dma_start3A_59, %dma_start3A_60] : memref<1152x64xf32, #tpu.memory_space<vmem>> -> memref<128x64xf32, #tpu.memory_space<vmem>>
    %dma_start3A_62 = arith.constant 0 : i32
    %dma_start3A_63 = tpu.memref_slice %arg5[%dma_start3A_58, %dma_start3A_62] : memref<9x128xi32, #tpu.memory_space<vmem>> -> memref<1x128xi32, #tpu.memory_space<vmem>>
    %dma_start3A_64 = tpu.memref_squeeze %dma_start3A_63 : memref<1x128xi32, #tpu.memory_space<vmem>> -> memref<128xi32, #tpu.memory_space<vmem>>
    %dma_start3A_65 = arith.constant 0 : i32
    %dma_start3A_66 = arith.constant 0 : i32
    %dma_start3A_67 = tpu.memref_slice %arg2[%dma_start3A_65, %dma_start3A_66] : memref<8192x64xf32, #tpu.memory_space<hbm>> -> memref<8192x64xf32, #tpu.memory_space<hbm>>
    tpu.enqueue_indirect_dma source(%dma_start3A_67 : memref<8192x64xf32, #tpu.memory_space<hbm>>) target(%dma_start3A_61 : memref<128x64xf32, #tpu.memory_space<vmem>>) offsets(%dma_start3A_64 : memref<128xi32, #tpu.memory_space<vmem>>) semaphore(%arg7 : memref<!tpu.dma_semaphore, #tpu.memory_space<semaphore_mem>>)
    %dma_start3A_68 = arith.constant 4 : i32
    %dma_start3A_69 = arith.constant 512 : i32
    %dma_start3A_70 = arith.constant 0 : i32
    %dma_start3A_71 = tpu.memref_slice %arg6[%dma_start3A_69, %dma_start3A_70] : memref<1152x64xf32, #tpu.memory_space<vmem>> -> memref<128x64xf32, #tpu.memory_space<vmem>>
    %dma_start3A_72 = arith.constant 0 : i32
    %dma_start3A_73 = tpu.memref_slice %arg5[%dma_start3A_68, %dma_start3A_72] : memref<9x128xi32, #tpu.memory_space<vmem>> -> memref<1x128xi32, #tpu.memory_space<vmem>>
    %dma_start3A_74 = tpu.memref_squeeze %dma_start3A_73 : memref<1x128xi32, #tpu.memory_space<vmem>> -> memref<128xi32, #tpu.memory_space<vmem>>
    %dma_start3A_75 = arith.constant 0 : i32
    %dma_start3A_76 = arith.constant 0 : i32
    %dma_start3A_77 = tpu.memref_slice %arg2[%dma_start3A_75, %dma_start3A_76] : memref<8192x64xf32, #tpu.memory_space<hbm>> -> memref<8192x64xf32, #tpu.memory_space<hbm>>
    tpu.enqueue_indirect_dma source(%dma_start3A_77 : memref<8192x64xf32, #tpu.memory_space<hbm>>) target(%dma_start3A_71 : memref<128x64xf32, #tpu.memory_space<vmem>>) offsets(%dma_start3A_74 : memref<128xi32, #tpu.memory_space<vmem>>) semaphore(%arg7 : memref<!tpu.dma_semaphore, #tpu.memory_space<semaphore_mem>>)
    %dma_start3A_78 = arith.constant 5 : i32
    %dma_start3A_79 = arith.constant 640 : i32
    %dma_start3A_80 = arith.constant 0 : i32
    %dma_start3A_81 = tpu.memref_slice %arg6[%dma_start3A_79, %dma_start3A_80] : memref<1152x64xf32, #tpu.memory_space<vmem>> -> memref<128x64xf32, #tpu.memory_space<vmem>>
    %dma_start3A_82 = arith.constant 0 : i32
    %dma_start3A_83 = tpu.memref_slice %arg5[%dma_start3A_78, %dma_start3A_82] : memref<9x128xi32, #tpu.memory_space<vmem>> -> memref<1x128xi32, #tpu.memory_space<vmem>>
    %dma_start3A_84 = tpu.memref_squeeze %dma_start3A_83 : memref<1x128xi32, #tpu.memory_space<vmem>> -> memref<128xi32, #tpu.memory_space<vmem>>
    %dma_start3A_85 = arith.constant 0 : i32
    %dma_start3A_86 = arith.constant 0 : i32
    %dma_start3A_87 = tpu.memref_slice %arg2[%dma_start3A_85, %dma_start3A_86] : memref<8192x64xf32, #tpu.memory_space<hbm>> -> memref<8192x64xf32, #tpu.memory_space<hbm>>
    tpu.enqueue_indirect_dma source(%dma_start3A_87 : memref<8192x64xf32, #tpu.memory_space<hbm>>) target(%dma_start3A_81 : memref<128x64xf32, #tpu.memory_space<vmem>>) offsets(%dma_start3A_84 : memref<128xi32, #tpu.memory_space<vmem>>) semaphore(%arg7 : memref<!tpu.dma_semaphore, #tpu.memory_space<semaphore_mem>>)
    %dma_start3A_88 = arith.constant 6 : i32
    %dma_start3A_89 = arith.constant 768 : i32
    %dma_start3A_90 = arith.constant 0 : i32
    %dma_start3A_91 = tpu.memref_slice %arg6[%dma_start3A_89, %dma_start3A_90] : memref<1152x64xf32, #tpu.memory_space<vmem>> -> memref<128x64xf32, #tpu.memory_space<vmem>>
    %dma_start3A_92 = arith.constant 0 : i32
    %dma_start3A_93 = tpu.memref_slice %arg5[%dma_start3A_88, %dma_start3A_92] : memref<9x128xi32, #tpu.memory_space<vmem>> -> memref<1x128xi32, #tpu.memory_space<vmem>>
    %dma_start3A_94 = tpu.memref_squeeze %dma_start3A_93 : memref<1x128xi32, #tpu.memory_space<vmem>> -> memref<128xi32, #tpu.memory_space<vmem>>
    %dma_start3A_95 = arith.constant 0 : i32
    %dma_start3A_96 = arith.constant 0 : i32
    %dma_start3A_97 = tpu.memref_slice %arg2[%dma_start3A_95, %dma_start3A_96] : memref<8192x64xf32, #tpu.memory_space<hbm>> -> memref<8192x64xf32, #tpu.memory_space<hbm>>
    tpu.enqueue_indirect_dma source(%dma_start3A_97 : memref<8192x64xf32, #tpu.memory_space<hbm>>) target(%dma_start3A_91 : memref<128x64xf32, #tpu.memory_space<vmem>>) offsets(%dma_start3A_94 : memref<128xi32, #tpu.memory_space<vmem>>) semaphore(%arg7 : memref<!tpu.dma_semaphore, #tpu.memory_space<semaphore_mem>>)
    %dma_start3A_98 = arith.constant 7 : i32
    %dma_start3A_99 = arith.constant 896 : i32
    %dma_start3A_100 = arith.constant 0 : i32
    %dma_start3A_101 = tpu.memref_slice %arg6[%dma_start3A_99, %dma_start3A_100] : memref<1152x64xf32, #tpu.memory_space<vmem>> -> memref<128x64xf32, #tpu.memory_space<vmem>>
    %dma_start3A_102 = arith.constant 0 : i32
    %dma_start3A_103 = tpu.memref_slice %arg5[%dma_start3A_98, %dma_start3A_102] : memref<9x128xi32, #tpu.memory_space<vmem>> -> memref<1x128xi32, #tpu.memory_space<vmem>>
    %dma_start3A_104 = tpu.memref_squeeze %dma_start3A_103 : memref<1x128xi32, #tpu.memory_space<vmem>> -> memref<128xi32, #tpu.memory_space<vmem>>
    %dma_start3A_105 = arith.constant 0 : i32
    %dma_start3A_106 = arith.constant 0 : i32
    %dma_start3A_107 = tpu.memref_slice %arg2[%dma_start3A_105, %dma_start3A_106] : memref<8192x64xf32, #tpu.memory_space<hbm>> -> memref<8192x64xf32, #tpu.memory_space<hbm>>
    tpu.enqueue_indirect_dma source(%dma_start3A_107 : memref<8192x64xf32, #tpu.memory_space<hbm>>) target(%dma_start3A_101 : memref<128x64xf32, #tpu.memory_space<vmem>>) offsets(%dma_start3A_104 : memref<128xi32, #tpu.memory_space<vmem>>) semaphore(%arg7 : memref<!tpu.dma_semaphore, #tpu.memory_space<semaphore_mem>>)
    %dma_start3A_108 = arith.constant 8 : i32
    %dma_start3A_109 = arith.constant 1024 : i32
    %dma_start3A_110 = arith.constant 0 : i32
    %dma_start3A_111 = tpu.memref_slice %arg6[%dma_start3A_109, %dma_start3A_110] : memref<1152x64xf32, #tpu.memory_space<vmem>> -> memref<128x64xf32, #tpu.memory_space<vmem>>
    %dma_start3A_112 = arith.constant 0 : i32
    %dma_start3A_113 = tpu.memref_slice %arg5[%dma_start3A_108, %dma_start3A_112] : memref<9x128xi32, #tpu.memory_space<vmem>> -> memref<1x128xi32, #tpu.memory_space<vmem>>
    %dma_start3A_114 = tpu.memref_squeeze %dma_start3A_113 : memref<1x128xi32, #tpu.memory_space<vmem>> -> memref<128xi32, #tpu.memory_space<vmem>>
    %dma_start3A_115 = arith.constant 0 : i32
    %dma_start3A_116 = arith.constant 0 : i32
    %dma_start3A_117 = tpu.memref_slice %arg2[%dma_start3A_115, %dma_start3A_116] : memref<8192x64xf32, #tpu.memory_space<hbm>> -> memref<8192x64xf32, #tpu.memory_space<hbm>>
    tpu.enqueue_indirect_dma source(%dma_start3A_117 : memref<8192x64xf32, #tpu.memory_space<hbm>>) target(%dma_start3A_111 : memref<128x64xf32, #tpu.memory_space<vmem>>) offsets(%dma_start3A_114 : memref<128xi32, #tpu.memory_space<vmem>>) semaphore(%arg7 : memref<!tpu.dma_semaphore, #tpu.memory_space<semaphore_mem>>)
    %dma_wait3A = arith.constant 0 : i32
    %dma_wait3A_118 = arith.constant 0 : i32
    %dma_wait3A_119 = arith.constant 0 : i32
    %dma_wait3A_120 = tpu.memref_slice %arg6[%dma_wait3A_118, %dma_wait3A_119] : memref<1152x64xf32, #tpu.memory_space<vmem>> -> memref<128x64xf32, #tpu.memory_space<vmem>>
    %dma_wait3A_121 = arith.constant 0 : i32
    %dma_wait3A_122 = tpu.memref_slice %arg5[%dma_wait3A, %dma_wait3A_121] : memref<9x128xi32, #tpu.memory_space<vmem>> -> memref<1x128xi32, #tpu.memory_space<vmem>>
    %dma_wait3A_123 = tpu.memref_squeeze %dma_wait3A_122 : memref<1x128xi32, #tpu.memory_space<vmem>> -> memref<128xi32, #tpu.memory_space<vmem>>
    %dma_wait3A_124 = arith.constant 0 : i32
    %dma_wait3A_125 = arith.constant 0 : i32
    %dma_wait3A_126 = tpu.memref_slice %arg2[%dma_wait3A_124, %dma_wait3A_125] : memref<8192x64xf32, #tpu.memory_space<hbm>> -> memref<8192x64xf32, #tpu.memory_space<hbm>>
    tpu.wait_indirect_dma semaphore(%arg7 : memref<!tpu.dma_semaphore, #tpu.memory_space<semaphore_mem>>) src(%dma_wait3A_126 : memref<8192x64xf32, #tpu.memory_space<hbm>>) dst(%dma_wait3A_120 : memref<128x64xf32, #tpu.memory_space<vmem>>)
    %dma_wait3A_127 = arith.constant 1 : i32
    %dma_wait3A_128 = arith.constant 128 : i32
    %dma_wait3A_129 = arith.constant 0 : i32
    %dma_wait3A_130 = tpu.memref_slice %arg6[%dma_wait3A_128, %dma_wait3A_129] : memref<1152x64xf32, #tpu.memory_space<vmem>> -> memref<128x64xf32, #tpu.memory_space<vmem>>
    %dma_wait3A_131 = arith.constant 0 : i32
    %dma_wait3A_132 = tpu.memref_slice %arg5[%dma_wait3A_127, %dma_wait3A_131] : memref<9x128xi32, #tpu.memory_space<vmem>> -> memref<1x128xi32, #tpu.memory_space<vmem>>
    %dma_wait3A_133 = tpu.memref_squeeze %dma_wait3A_132 : memref<1x128xi32, #tpu.memory_space<vmem>> -> memref<128xi32, #tpu.memory_space<vmem>>
    %dma_wait3A_134 = arith.constant 0 : i32
    %dma_wait3A_135 = arith.constant 0 : i32
    %dma_wait3A_136 = tpu.memref_slice %arg2[%dma_wait3A_134, %dma_wait3A_135] : memref<8192x64xf32, #tpu.memory_space<hbm>> -> memref<8192x64xf32, #tpu.memory_space<hbm>>
    tpu.wait_indirect_dma semaphore(%arg7 : memref<!tpu.dma_semaphore, #tpu.memory_space<semaphore_mem>>) src(%dma_wait3A_136 : memref<8192x64xf32, #tpu.memory_space<hbm>>) dst(%dma_wait3A_130 : memref<128x64xf32, #tpu.memory_space<vmem>>)
    %dma_wait3A_137 = arith.constant 2 : i32
    %dma_wait3A_138 = arith.constant 256 : i32
    %dma_wait3A_139 = arith.constant 0 : i32
    %dma_wait3A_140 = tpu.memref_slice %arg6[%dma_wait3A_138, %dma_wait3A_139] : memref<1152x64xf32, #tpu.memory_space<vmem>> -> memref<128x64xf32, #tpu.memory_space<vmem>>
    %dma_wait3A_141 = arith.constant 0 : i32
    %dma_wait3A_142 = tpu.memref_slice %arg5[%dma_wait3A_137, %dma_wait3A_141] : memref<9x128xi32, #tpu.memory_space<vmem>> -> memref<1x128xi32, #tpu.memory_space<vmem>>
    %dma_wait3A_143 = tpu.memref_squeeze %dma_wait3A_142 : memref<1x128xi32, #tpu.memory_space<vmem>> -> memref<128xi32, #tpu.memory_space<vmem>>
    %dma_wait3A_144 = arith.constant 0 : i32
    %dma_wait3A_145 = arith.constant 0 : i32
    %dma_wait3A_146 = tpu.memref_slice %arg2[%dma_wait3A_144, %dma_wait3A_145] : memref<8192x64xf32, #tpu.memory_space<hbm>> -> memref<8192x64xf32, #tpu.memory_space<hbm>>
    tpu.wait_indirect_dma semaphore(%arg7 : memref<!tpu.dma_semaphore, #tpu.memory_space<semaphore_mem>>) src(%dma_wait3A_146 : memref<8192x64xf32, #tpu.memory_space<hbm>>) dst(%dma_wait3A_140 : memref<128x64xf32, #tpu.memory_space<vmem>>)
    %dma_wait3A_147 = arith.constant 3 : i32
    %dma_wait3A_148 = arith.constant 384 : i32
    %dma_wait3A_149 = arith.constant 0 : i32
    %dma_wait3A_150 = tpu.memref_slice %arg6[%dma_wait3A_148, %dma_wait3A_149] : memref<1152x64xf32, #tpu.memory_space<vmem>> -> memref<128x64xf32, #tpu.memory_space<vmem>>
    %dma_wait3A_151 = arith.constant 0 : i32
    %dma_wait3A_152 = tpu.memref_slice %arg5[%dma_wait3A_147, %dma_wait3A_151] : memref<9x128xi32, #tpu.memory_space<vmem>> -> memref<1x128xi32, #tpu.memory_space<vmem>>
    %dma_wait3A_153 = tpu.memref_squeeze %dma_wait3A_152 : memref<1x128xi32, #tpu.memory_space<vmem>> -> memref<128xi32, #tpu.memory_space<vmem>>
    %dma_wait3A_154 = arith.constant 0 : i32
    %dma_wait3A_155 = arith.constant 0 : i32
    %dma_wait3A_156 = tpu.memref_slice %arg2[%dma_wait3A_154, %dma_wait3A_155] : memref<8192x64xf32, #tpu.memory_space<hbm>> -> memref<8192x64xf32, #tpu.memory_space<hbm>>
    tpu.wait_indirect_dma semaphore(%arg7 : memref<!tpu.dma_semaphore, #tpu.memory_space<semaphore_mem>>) src(%dma_wait3A_156 : memref<8192x64xf32, #tpu.memory_space<hbm>>) dst(%dma_wait3A_150 : memref<128x64xf32, #tpu.memory_space<vmem>>)
    %dma_wait3A_157 = arith.constant 4 : i32
    %dma_wait3A_158 = arith.constant 512 : i32
    %dma_wait3A_159 = arith.constant 0 : i32
    %dma_wait3A_160 = tpu.memref_slice %arg6[%dma_wait3A_158, %dma_wait3A_159] : memref<1152x64xf32, #tpu.memory_space<vmem>> -> memref<128x64xf32, #tpu.memory_space<vmem>>
    %dma_wait3A_161 = arith.constant 0 : i32
    %dma_wait3A_162 = tpu.memref_slice %arg5[%dma_wait3A_157, %dma_wait3A_161] : memref<9x128xi32, #tpu.memory_space<vmem>> -> memref<1x128xi32, #tpu.memory_space<vmem>>
    %dma_wait3A_163 = tpu.memref_squeeze %dma_wait3A_162 : memref<1x128xi32, #tpu.memory_space<vmem>> -> memref<128xi32, #tpu.memory_space<vmem>>
    %dma_wait3A_164 = arith.constant 0 : i32
    %dma_wait3A_165 = arith.constant 0 : i32
    %dma_wait3A_166 = tpu.memref_slice %arg2[%dma_wait3A_164, %dma_wait3A_165] : memref<8192x64xf32, #tpu.memory_space<hbm>> -> memref<8192x64xf32, #tpu.memory_space<hbm>>
    tpu.wait_indirect_dma semaphore(%arg7 : memref<!tpu.dma_semaphore, #tpu.memory_space<semaphore_mem>>) src(%dma_wait3A_166 : memref<8192x64xf32, #tpu.memory_space<hbm>>) dst(%dma_wait3A_160 : memref<128x64xf32, #tpu.memory_space<vmem>>)
    %dma_wait3A_167 = arith.constant 5 : i32
    %dma_wait3A_168 = arith.constant 640 : i32
    %dma_wait3A_169 = arith.constant 0 : i32
    %dma_wait3A_170 = tpu.memref_slice %arg6[%dma_wait3A_168, %dma_wait3A_169] : memref<1152x64xf32, #tpu.memory_space<vmem>> -> memref<128x64xf32, #tpu.memory_space<vmem>>
    %dma_wait3A_171 = arith.constant 0 : i32
    %dma_wait3A_172 = tpu.memref_slice %arg5[%dma_wait3A_167, %dma_wait3A_171] : memref<9x128xi32, #tpu.memory_space<vmem>> -> memref<1x128xi32, #tpu.memory_space<vmem>>
    %dma_wait3A_173 = tpu.memref_squeeze %dma_wait3A_172 : memref<1x128xi32, #tpu.memory_space<vmem>> -> memref<128xi32, #tpu.memory_space<vmem>>
    %dma_wait3A_174 = arith.constant 0 : i32
    %dma_wait3A_175 = arith.constant 0 : i32
    %dma_wait3A_176 = tpu.memref_slice %arg2[%dma_wait3A_174, %dma_wait3A_175] : memref<8192x64xf32, #tpu.memory_space<hbm>> -> memref<8192x64xf32, #tpu.memory_space<hbm>>
    tpu.wait_indirect_dma semaphore(%arg7 : memref<!tpu.dma_semaphore, #tpu.memory_space<semaphore_mem>>) src(%dma_wait3A_176 : memref<8192x64xf32, #tpu.memory_space<hbm>>) dst(%dma_wait3A_170 : memref<128x64xf32, #tpu.memory_space<vmem>>)
    %dma_wait3A_177 = arith.constant 6 : i32
    %dma_wait3A_178 = arith.constant 768 : i32
    %dma_wait3A_179 = arith.constant 0 : i32
    %dma_wait3A_180 = tpu.memref_slice %arg6[%dma_wait3A_178, %dma_wait3A_179] : memref<1152x64xf32, #tpu.memory_space<vmem>> -> memref<128x64xf32, #tpu.memory_space<vmem>>
    %dma_wait3A_181 = arith.constant 0 : i32
    %dma_wait3A_182 = tpu.memref_slice %arg5[%dma_wait3A_177, %dma_wait3A_181] : memref<9x128xi32, #tpu.memory_space<vmem>> -> memref<1x128xi32, #tpu.memory_space<vmem>>
    %dma_wait3A_183 = tpu.memref_squeeze %dma_wait3A_182 : memref<1x128xi32, #tpu.memory_space<vmem>> -> memref<128xi32, #tpu.memory_space<vmem>>
    %dma_wait3A_184 = arith.constant 0 : i32
    %dma_wait3A_185 = arith.constant 0 : i32
    %dma_wait3A_186 = tpu.memref_slice %arg2[%dma_wait3A_184, %dma_wait3A_185] : memref<8192x64xf32, #tpu.memory_space<hbm>> -> memref<8192x64xf32, #tpu.memory_space<hbm>>
    tpu.wait_indirect_dma semaphore(%arg7 : memref<!tpu.dma_semaphore, #tpu.memory_space<semaphore_mem>>) src(%dma_wait3A_186 : memref<8192x64xf32, #tpu.memory_space<hbm>>) dst(%dma_wait3A_180 : memref<128x64xf32, #tpu.memory_space<vmem>>)
    %dma_wait3A_187 = arith.constant 7 : i32
    %dma_wait3A_188 = arith.constant 896 : i32
    %dma_wait3A_189 = arith.constant 0 : i32
    %dma_wait3A_190 = tpu.memref_slice %arg6[%dma_wait3A_188, %dma_wait3A_189] : memref<1152x64xf32, #tpu.memory_space<vmem>> -> memref<128x64xf32, #tpu.memory_space<vmem>>
    %dma_wait3A_191 = arith.constant 0 : i32
    %dma_wait3A_192 = tpu.memref_slice %arg5[%dma_wait3A_187, %dma_wait3A_191] : memref<9x128xi32, #tpu.memory_space<vmem>> -> memref<1x128xi32, #tpu.memory_space<vmem>>
    %dma_wait3A_193 = tpu.memref_squeeze %dma_wait3A_192 : memref<1x128xi32, #tpu.memory_space<vmem>> -> memref<128xi32, #tpu.memory_space<vmem>>
    %dma_wait3A_194 = arith.constant 0 : i32
    %dma_wait3A_195 = arith.constant 0 : i32
    %dma_wait3A_196 = tpu.memref_slice %arg2[%dma_wait3A_194, %dma_wait3A_195] : memref<8192x64xf32, #tpu.memory_space<hbm>> -> memref<8192x64xf32, #tpu.memory_space<hbm>>
    tpu.wait_indirect_dma semaphore(%arg7 : memref<!tpu.dma_semaphore, #tpu.memory_space<semaphore_mem>>) src(%dma_wait3A_196 : memref<8192x64xf32, #tpu.memory_space<hbm>>) dst(%dma_wait3A_190 : memref<128x64xf32, #tpu.memory_space<vmem>>)
    %dma_wait3A_197 = arith.constant 8 : i32
    %dma_wait3A_198 = arith.constant 1024 : i32
    %dma_wait3A_199 = arith.constant 0 : i32
    %dma_wait3A_200 = tpu.memref_slice %arg6[%dma_wait3A_198, %dma_wait3A_199] : memref<1152x64xf32, #tpu.memory_space<vmem>> -> memref<128x64xf32, #tpu.memory_space<vmem>>
    %dma_wait3A_201 = arith.constant 0 : i32
    %dma_wait3A_202 = tpu.memref_slice %arg5[%dma_wait3A_197, %dma_wait3A_201] : memref<9x128xi32, #tpu.memory_space<vmem>> -> memref<1x128xi32, #tpu.memory_space<vmem>>
    %dma_wait3A_203 = tpu.memref_squeeze %dma_wait3A_202 : memref<1x128xi32, #tpu.memory_space<vmem>> -> memref<128xi32, #tpu.memory_space<vmem>>
    %dma_wait3A_204 = arith.constant 0 : i32
    %dma_wait3A_205 = arith.constant 0 : i32
    %dma_wait3A_206 = tpu.memref_slice %arg2[%dma_wait3A_204, %dma_wait3A_205] : memref<8192x64xf32, #tpu.memory_space<hbm>> -> memref<8192x64xf32, #tpu.memory_space<hbm>>
    tpu.wait_indirect_dma semaphore(%arg7 : memref<!tpu.dma_semaphore, #tpu.memory_space<semaphore_mem>>) src(%dma_wait3A_206 : memref<8192x64xf32, #tpu.memory_space<hbm>>) dst(%dma_wait3A_200 : memref<128x64xf32, #tpu.memory_space<vmem>>)
    %mul3A_207 = arith.constant 2 : i32
    %mul3A_208 = arith.muli %mul3A_207, %add3A : i32
    %add3A_209 = arith.constant 0 : i32
    %add3A_210 = arith.addi %mul3A_208, %add3A_209 : i32
    "tpu.region"() ({
      %run_scoped3A_215 = tpu.sem_alloc : memref<!tpu.dma_semaphore, #tpu.memory_space<semaphore_mem>>
      %dma_start3A_216 = arith.constant 0 : i32
      %dma_start3A_217 = arith.constant 0 : i32
      %dma_start3A_218 = tpu.memref_slice %arg6[%dma_start3A_216, %dma_start3A_217] : memref<1152x64xf32, #tpu.memory_space<vmem>> -> memref<576x64xf32, #tpu.memory_space<vmem>>
      %dma_start3A_219 = arith.constant 0 : i32
      %dma_start3A_220 = arith.constant 0 : i32
      %dma_start3A_221 = tpu.memref_slice %arg4[%add3A_210, %dma_start3A_219, %dma_start3A_220] : memref<64x576x64xf32, #tpu.memory_space<hbm>> -> memref<1x576x64xf32, #tpu.memory_space<hbm>>
      %dma_start3A_222 = tpu.memref_squeeze %dma_start3A_221 : memref<1x576x64xf32, #tpu.memory_space<hbm>> -> memref<576x64xf32, #tpu.memory_space<hbm>>
      %dma_start3A_223 = arith.constant 0 : i32
      %dma_start3A_224 = arith.constant 0 : i32
      %dma_start3A_225 = tpu.memref_slice %arg4[%add3A_210, %dma_start3A_223, %dma_start3A_224] : memref<64x576x64xf32, #tpu.memory_space<hbm>> -> memref<1x576x64xf32, #tpu.memory_space<hbm>>
      %dma_start3A_226 = tpu.memref_squeeze %dma_start3A_225 : memref<1x576x64xf32, #tpu.memory_space<hbm>> -> memref<576x64xf32, #tpu.memory_space<hbm>>
      %dma_start3A_227 = arith.constant 0 : i32
      %dma_start3A_228 = arith.constant 0 : i32
      %dma_start3A_229 = tpu.memref_slice %arg6[%dma_start3A_227, %dma_start3A_228] : memref<1152x64xf32, #tpu.memory_space<vmem>> -> memref<576x64xf32, #tpu.memory_space<vmem>>
      tpu.enqueue_dma source(%dma_start3A_229 : memref<576x64xf32, #tpu.memory_space<vmem>>) target(%dma_start3A_226 : memref<576x64xf32, #tpu.memory_space<hbm>>) target_semaphore(%run_scoped3A_215 : memref<!tpu.dma_semaphore, #tpu.memory_space<semaphore_mem>>)
      %dma_wait3A_230 = arith.constant 0 : i32
      %dma_wait3A_231 = arith.constant 0 : i32
      %dma_wait3A_232 = tpu.memref_slice %arg6[%dma_wait3A_230, %dma_wait3A_231] : memref<1152x64xf32, #tpu.memory_space<vmem>> -> memref<576x64xf32, #tpu.memory_space<vmem>>
      %dma_wait3A_233 = arith.constant 0 : i32
      %dma_wait3A_234 = arith.constant 0 : i32
      %dma_wait3A_235 = tpu.memref_slice %arg4[%add3A_210, %dma_wait3A_233, %dma_wait3A_234] : memref<64x576x64xf32, #tpu.memory_space<hbm>> -> memref<1x576x64xf32, #tpu.memory_space<hbm>>
      %dma_wait3A_236 = tpu.memref_squeeze %dma_wait3A_235 : memref<1x576x64xf32, #tpu.memory_space<hbm>> -> memref<576x64xf32, #tpu.memory_space<hbm>>
      %dma_wait3A_237 = arith.constant 0 : i32
      %dma_wait3A_238 = arith.constant 0 : i32
      %dma_wait3A_239 = tpu.memref_slice %arg4[%add3A_210, %dma_wait3A_237, %dma_wait3A_238] : memref<64x576x64xf32, #tpu.memory_space<hbm>> -> memref<1x576x64xf32, #tpu.memory_space<hbm>>
      %dma_wait3A_240 = tpu.memref_squeeze %dma_wait3A_239 : memref<1x576x64xf32, #tpu.memory_space<hbm>> -> memref<576x64xf32, #tpu.memory_space<hbm>>
      %dma_wait3A_241 = arith.constant 0 : i32
      %dma_wait3A_242 = arith.constant 0 : i32
      %dma_wait3A_243 = tpu.memref_slice %arg6[%dma_wait3A_241, %dma_wait3A_242] : memref<1152x64xf32, #tpu.memory_space<vmem>> -> memref<576x64xf32, #tpu.memory_space<vmem>>
      tpu.wait_dma2 semaphore(%run_scoped3A_215 : memref<!tpu.dma_semaphore, #tpu.memory_space<semaphore_mem>>) src(%dma_wait3A_243 : memref<576x64xf32, #tpu.memory_space<vmem>>) dst(%dma_wait3A_240 : memref<576x64xf32, #tpu.memory_space<hbm>>)
      tpu.yield
    }) : () -> ()
    %mul3A_211 = arith.constant 2 : i32
    %mul3A_212 = arith.muli %mul3A_211, %add3A : i32
    %add3A_213 = arith.constant 1 : i32
    %add3A_214 = arith.addi %mul3A_212, %add3A_213 : i32
    "tpu.region"() ({
      %run_scoped3A_215 = tpu.sem_alloc : memref<!tpu.dma_semaphore, #tpu.memory_space<semaphore_mem>>
      %dma_start3A_216 = arith.constant 576 : i32
      %dma_start3A_217 = arith.constant 0 : i32
      %dma_start3A_218 = tpu.memref_slice %arg6[%dma_start3A_216, %dma_start3A_217] : memref<1152x64xf32, #tpu.memory_space<vmem>> -> memref<576x64xf32, #tpu.memory_space<vmem>>
      %dma_start3A_219 = arith.constant 0 : i32
      %dma_start3A_220 = arith.constant 0 : i32
      %dma_start3A_221 = tpu.memref_slice %arg4[%add3A_214, %dma_start3A_219, %dma_start3A_220] : memref<64x576x64xf32, #tpu.memory_space<hbm>> -> memref<1x576x64xf32, #tpu.memory_space<hbm>>
      %dma_start3A_222 = tpu.memref_squeeze %dma_start3A_221 : memref<1x576x64xf32, #tpu.memory_space<hbm>> -> memref<576x64xf32, #tpu.memory_space<hbm>>
      %dma_start3A_223 = arith.constant 0 : i32
      %dma_start3A_224 = arith.constant 0 : i32
      %dma_start3A_225 = tpu.memref_slice %arg4[%add3A_214, %dma_start3A_223, %dma_start3A_224] : memref<64x576x64xf32, #tpu.memory_space<hbm>> -> memref<1x576x64xf32, #tpu.memory_space<hbm>>
      %dma_start3A_226 = tpu.memref_squeeze %dma_start3A_225 : memref<1x576x64xf32, #tpu.memory_space<hbm>> -> memref<576x64xf32, #tpu.memory_space<hbm>>
      %dma_start3A_227 = arith.constant 576 : i32
      %dma_start3A_228 = arith.constant 0 : i32
      %dma_start3A_229 = tpu.memref_slice %arg6[%dma_start3A_227, %dma_start3A_228] : memref<1152x64xf32, #tpu.memory_space<vmem>> -> memref<576x64xf32, #tpu.memory_space<vmem>>
      tpu.enqueue_dma source(%dma_start3A_229 : memref<576x64xf32, #tpu.memory_space<vmem>>) target(%dma_start3A_226 : memref<576x64xf32, #tpu.memory_space<hbm>>) target_semaphore(%run_scoped3A_215 : memref<!tpu.dma_semaphore, #tpu.memory_space<semaphore_mem>>)
      %dma_wait3A_230 = arith.constant 576 : i32
      %dma_wait3A_231 = arith.constant 0 : i32
      %dma_wait3A_232 = tpu.memref_slice %arg6[%dma_wait3A_230, %dma_wait3A_231] : memref<1152x64xf32, #tpu.memory_space<vmem>> -> memref<576x64xf32, #tpu.memory_space<vmem>>
      %dma_wait3A_233 = arith.constant 0 : i32
      %dma_wait3A_234 = arith.constant 0 : i32
      %dma_wait3A_235 = tpu.memref_slice %arg4[%add3A_214, %dma_wait3A_233, %dma_wait3A_234] : memref<64x576x64xf32, #tpu.memory_space<hbm>> -> memref<1x576x64xf32, #tpu.memory_space<hbm>>
      %dma_wait3A_236 = tpu.memref_squeeze %dma_wait3A_235 : memref<1x576x64xf32, #tpu.memory_space<hbm>> -> memref<576x64xf32, #tpu.memory_space<hbm>>
      %dma_wait3A_237 = arith.constant 0 : i32
      %dma_wait3A_238 = arith.constant 0 : i32
      %dma_wait3A_239 = tpu.memref_slice %arg4[%add3A_214, %dma_wait3A_237, %dma_wait3A_238] : memref<64x576x64xf32, #tpu.memory_space<hbm>> -> memref<1x576x64xf32, #tpu.memory_space<hbm>>
      %dma_wait3A_240 = tpu.memref_squeeze %dma_wait3A_239 : memref<1x576x64xf32, #tpu.memory_space<hbm>> -> memref<576x64xf32, #tpu.memory_space<hbm>>
      %dma_wait3A_241 = arith.constant 576 : i32
      %dma_wait3A_242 = arith.constant 0 : i32
      %dma_wait3A_243 = tpu.memref_slice %arg6[%dma_wait3A_241, %dma_wait3A_242] : memref<1152x64xf32, #tpu.memory_space<vmem>> -> memref<576x64xf32, #tpu.memory_space<vmem>>
      tpu.wait_dma2 semaphore(%run_scoped3A_215 : memref<!tpu.dma_semaphore, #tpu.memory_space<semaphore_mem>>) src(%dma_wait3A_243 : memref<576x64xf32, #tpu.memory_space<vmem>>) dst(%dma_wait3A_240 : memref<576x64xf32, #tpu.memory_space<hbm>>)
      tpu.yield
    }) : () -> ()
    return
  }
}

module attributes {stable_mosaic.version = 14 : i64} {
  func.func @_table_kernel(%arg0: i32, %arg1: memref<16x1xf32, #tpu.memory_space<vmem>>, %arg2: memref<512x64xf32, #tpu.memory_space<vmem>>, %arg3: memref<512x64xf32, #tpu.memory_space<vmem>>) attributes {dimension_semantics = [#tpu.dimension_semantics<arbitrary>], iteration_bounds = array<i64: 16>, scalar_prefetch = 0 : i64, scratch_operands = 0 : i64, tpu.core_type = #tpu.core_type<tc>, window_params = [{pipeline_mode = #tpu.pipeline_mode<synchronous>, transform_indices = @transform_0, window_bounds = array<i64: 16, 1>}, {pipeline_mode = #tpu.pipeline_mode<synchronous>, transform_indices = @transform_1, window_bounds = array<i64: 512, 64>}, {transform_indices = @transform_2, window_bounds = array<i64: 512, 64>}]} {
    %get3A = arith.constant 0 : index
    %get3A_0 = arith.constant 0 : index
    %get3A_1 = vector.load %arg1[%get3A, %get3A_0] : memref<16x1xf32, #tpu.memory_space<vmem>>, vector<16x1xf32>
    %jit3A = arith.constant 0.00999999977 : f32
    %jit3A_2 = arith.constant 1.100000e+00 : f32
    %max3A = vector.broadcast %jit3A : f32 to vector<16x1xf32>
    %max3A_3 = arith.maximumf %max3A, %get3A_1 : vector<16x1xf32>
    %min3A = vector.broadcast %jit3A_2 : f32 to vector<16x1xf32>
    %min3A_4 = arith.minimumf %min3A, %max3A_3 : vector<16x1xf32>
    %iota3A = tpu.iota {dimensions = array<i32: 0>} : vector<16x1xi32>
    %eq3A = vector.broadcast %arg0 : i32 to vector<16x1xi32>
    %eq3A_5 = arith.cmpi eq, %iota3A, %eq3A : vector<16x1xi32>
    %jit3A_6 = arith.constant 0xFF800000 : f32
    %broadcast_in_dim3A = vector.broadcast %jit3A_6 : f32 to vector<16x1xf32>
    %select_n3A = arith.select %eq3A_5, %min3A_4, %broadcast_in_dim3A : vector<16x1xi1>, vector<16x1xf32>
    %reduce_max3A = vector.shape_cast %select_n3A : vector<16x1xf32> to vector<1x16x1xf32>
    %reduce_max3A_7 = arith.constant dense<0xFF800000> : vector<1xf32>
    %reduce_max3A_8 = vector.multi_reduction <maximumf>, %reduce_max3A, %reduce_max3A_7 [1, 2] : vector<1x16x1xf32> to vector<1xf32>
    %reduce_max3A_9 = vector.shape_cast %reduce_max3A_8 : vector<1xf32> to vector<1x1x1xf32>
    %reduce_max3A_10 = vector.extract %reduce_max3A_9[0, 0, 0] : f32 from vector<1x1x1xf32>
    %exp3A = math.exp %reduce_max3A_10 : f32
    %div3A = arith.constant 1.000000e+00 : f32
    %div3A_11 = arith.divf %div3A, %exp3A : f32
    %add3A = arith.addf %exp3A, %div3A_11 : f32
    %mul3A = arith.constant 5.000000e-01 : f32
    %mul3A_12 = arith.mulf %mul3A, %add3A : f32
    %div3A_13 = arith.constant 1.000000e+00 : f32
    %div3A_14 = arith.divf %div3A_13, %exp3A : f32
    %sub3A = arith.subf %exp3A, %div3A_14 : f32
    %mul3A_15 = arith.constant 5.000000e-01 : f32
    %mul3A_16 = arith.mulf %mul3A_15, %sub3A : f32
    %get3A_17 = arith.constant 0 : index
    %get3A_18 = arith.constant 0 : index
    %get3A_19 = vector.load %arg2[%get3A_17, %get3A_18] : memref<512x64xf32, #tpu.memory_space<vmem>>, vector<512x64xf32>
    %iota3A_20 = tpu.iota {dimensions = array<i32: 1>} : vector<512x64xi32>
    %eq3A_21 = arith.constant 0 : i32
    %eq3A_22 = vector.broadcast %eq3A_21 : i32 to vector<512x64xi32>
    %eq3A_23 = arith.cmpi eq, %iota3A_20, %eq3A_22 : vector<512x64xi32>
    %mul3A_24 = vector.broadcast %mul3A_16 : f32 to vector<512x64xf32>
    %mul3A_25 = arith.mulf %get3A_19, %mul3A_24 : vector<512x64xf32>
    %jit3A_26 = arith.constant 0.000000e+00 : f32
    %broadcast_in_dim3A_27 = vector.broadcast %mul3A_12 : f32 to vector<512x64xf32>
    %broadcast_in_dim3A_28 = vector.broadcast %jit3A_26 : f32 to vector<512x64xf32>
    %select_n3A_29 = arith.select %eq3A_23, %broadcast_in_dim3A_27, %broadcast_in_dim3A_28 : vector<512x64xi1>, vector<512x64xf32>
    %add3A_30 = arith.addf %mul3A_25, %select_n3A_29 : vector<512x64xf32>
    %swap3A = arith.constant 0 : index
    %swap3A_31 = arith.constant 0 : index
    %swap3A_32 = vector.load %arg3[%swap3A, %swap3A_31] : memref<512x64xf32, #tpu.memory_space<vmem>>, vector<512x64xf32>
    tpu.vector_store %arg3[%swap3A, %swap3A_31], %add3A_30 {strides = array<i32>} : memref<512x64xf32, #tpu.memory_space<vmem>>, vector<512x64xf32>,
    return
  }
  func.func @transform_0(%arg0: i32) -> (i32, i32) {
    %c0_i32 = arith.constant 0 : i32
    %c0_i32_0 = arith.constant 0 : i32
    %c0_i32_1 = arith.constant 0 : i32
    return %c0_i32, %c0_i32_0 : i32, i32
  }
  func.func @transform_1(%arg0: i32) -> (i32, i32) {
    %c0_i32 = arith.constant 0 : i32
    %c0_i32_0 = arith.constant 0 : i32
    %c0_i32_1 = arith.constant 0 : i32
    return %c0_i32, %c0_i32_0 : i32, i32
  }
  func.func @transform_2(%arg0: i32) -> (i32, i32) {
    %c0_i32 = arith.constant 0 : i32
    %c0_i32_0 = arith.constant 0 : i32
    return %arg0, %c0_i32 : i32, i32
  }
}

module attributes {stable_mosaic.version = 14 : i64} {
  func.func @_vq_kernel(%arg0: i32, %arg1: memref<3072x64xf32, #tpu.memory_space<vmem>>, %arg2: memref<16x1xf32, #tpu.memory_space<vmem>>, %arg3: memref<520x64xf32, #tpu.memory_space<vmem>>, %arg4: memref<1x3072xi32, #tpu.memory_space<vmem>>, %arg5: memref<16x512xf32, #tpu.memory_space<vmem>>, %arg6: memref<1x1xf32, #tpu.memory_space<vmem>>, %arg7: memref<1x1xf32, #tpu.memory_space<vmem>>, %arg8: memref<16x512xf32, #tpu.memory_space<vmem>>, %arg9: memref<1x1xf32, #tpu.memory_space<vmem>>, %arg10: memref<1x1xf32, #tpu.memory_space<vmem>>) attributes {dimension_semantics = [#tpu.dimension_semantics<arbitrary>], iteration_bounds = array<i64: 12>, scalar_prefetch = 0 : i64, scratch_operands = 0 : i64, tpu.core_type = #tpu.core_type<tc>, window_params = [{transform_indices = @transform_0, window_bounds = array<i64: 3072, 64>}, {pipeline_mode = #tpu.pipeline_mode<synchronous>, transform_indices = @transform_1, window_bounds = array<i64: 16, 1>}, {pipeline_mode = #tpu.pipeline_mode<synchronous>, transform_indices = @transform_2, window_bounds = array<i64: 520, 64>}, {transform_indices = @transform_3, window_bounds = array<i64: 1, 3072>}, {pipeline_mode = #tpu.pipeline_mode<synchronous>, transform_indices = @transform_4, window_bounds = array<i64: 16, 512>}, {pipeline_mode = #tpu.pipeline_mode<synchronous>, transform_indices = @transform_5, window_bounds = array<i64: 1, 1>}, {pipeline_mode = #tpu.pipeline_mode<synchronous>, transform_indices = @transform_6, window_bounds = array<i64: 1, 1>}, {pipeline_mode = #tpu.pipeline_mode<synchronous>, transform_indices = @transform_7, window_bounds = array<i64: 16, 512>}, {pipeline_mode = #tpu.pipeline_mode<synchronous>, transform_indices = @transform_8, window_bounds = array<i64: 1, 1>}, {pipeline_mode = #tpu.pipeline_mode<synchronous>, transform_indices = @transform_9, window_bounds = array<i64: 1, 1>}]} {
    %get3A = arith.constant 0 : index
    %get3A_0 = arith.constant 0 : index
    %get3A_1 = vector.load %arg1[%get3A, %get3A_0] : memref<3072x64xf32, #tpu.memory_space<vmem>>, vector<3072x64xf32>
    %get3A_2 = arith.constant 0 : index
    %get3A_3 = arith.constant 0 : index
    %get3A_4 = vector.load %arg3[%get3A_2, %get3A_3] : memref<520x64xf32, #tpu.memory_space<vmem>>, vector<520x64xf32>
    %dot_general3A = arith.constant dense<0.000000e+00> : vector<520x3072xf32>
    %dot_general3A_5 = tpu.matmul %get3A_4, %get3A_1, %dot_general3A {dimension_numbers = #tpu.dot_dimension_numbers<[1], [1], [0], [0], [0, 0, 1, 0], [], []>, precision = #tpu.contract_precision<fp32>, transpose_lhs_hint = false} : vector<520x64xf32>, vector<3072x64xf32>, vector<520x3072xf32> -> vector<520x3072xf32>
    %slice3A = vector.extract_strided_slice %dot_general3A_5 {offsets = [512, 0], sizes = [1, 3072], strides = [1, 1]} : vector<520x3072xf32> to vector<1x3072xf32>
    %max3A = arith.constant 1.010000e+00 : f32
    %max3A_6 = vector.broadcast %max3A : f32 to vector<1x3072xf32>
    %max3A_7 = arith.maximumf %slice3A, %max3A_6 : vector<1x3072xf32>
    %sub3A = arith.constant 1.000000e+00 : f32
    %sub3A_8 = vector.broadcast %sub3A : f32 to vector<1x3072xf32>
    %sub3A_9 = arith.subf %max3A_7, %sub3A_8 : vector<1x3072xf32>
    %add3A = arith.constant 1.000000e+00 : f32
    %add3A_10 = vector.broadcast %add3A : f32 to vector<1x3072xf32>
    %add3A_11 = arith.addf %max3A_7, %add3A_10 : vector<1x3072xf32>
    %mul3A = arith.mulf %sub3A_9, %add3A_11 : vector<1x3072xf32>
    %sqrt3A = math.sqrt %mul3A : vector<1x3072xf32>
    %add3A_12 = arith.addf %max3A_7, %sqrt3A : vector<1x3072xf32>
    %log3A = math.log %add3A_12 : vector<1x3072xf32>
    %slice3A_13 = vector.extract_strided_slice %dot_general3A_5 {offsets = [0, 0], sizes = [512, 3072], strides = [1, 1]} : vector<520x3072xf32> to vector<512x3072xf32>
    %iota3A = tpu.iota {dimensions = array<i32: 0>} : vector<512x3072xi32>
    %reduce_max3A = arith.constant dense<0xFF800000> : vector<3072xf32>
    %reduce_max3A_14 = vector.multi_reduction <maximumf>, %slice3A_13, %reduce_max3A [0] : vector<512x3072xf32> to vector<3072xf32>
    %broadcast_in_dim3A = vector.shape_cast %reduce_max3A_14 : vector<3072xf32> to vector<1x3072xf32>
    %eq3A = vector.broadcast %broadcast_in_dim3A : vector<1x3072xf32> to vector<512x3072xf32>
    %eq3A_15 = arith.cmpf oeq, %slice3A_13, %eq3A : vector<512x3072xf32>
    %jit3A = arith.constant 512 : i32
    %broadcast_in_dim3A_16 = vector.broadcast %jit3A : i32 to vector<512x3072xi32>
    %select_n3A = arith.select %eq3A_15, %iota3A, %broadcast_in_dim3A_16 : vector<512x3072xi1>, vector<512x3072xi32>
    %reduce_min3A = arith.constant dense<2147483647> : vector<3072xi32>
    %reduce_min3A_17 = vector.multi_reduction <minsi>, %select_n3A, %reduce_min3A [0] : vector<512x3072xi32> to vector<3072xi32>
    %broadcast_in_dim3A_18 = vector.shape_cast %reduce_min3A_17 : vector<3072xi32> to vector<1x3072xi32>
    %get3A_19 = arith.constant 0 : index
    %get3A_20 = arith.constant 0 : index
    %get3A_21 = vector.load %arg2[%get3A_19, %get3A_20] : memref<16x1xf32, #tpu.memory_space<vmem>>, vector<16x1xf32>
    %jit3A_22 = arith.constant 0.00999999977 : f32
    %jit3A_23 = arith.constant 1.100000e+00 : f32
    %max3A_24 = vector.broadcast %jit3A_22 : f32 to vector<16x1xf32>
    %max3A_25 = arith.maximumf %max3A_24, %get3A_21 : vector<16x1xf32>
    %min3A = vector.broadcast %jit3A_23 : f32 to vector<16x1xf32>
    %min3A_26 = arith.minimumf %min3A, %max3A_25 : vector<16x1xf32>
    %sub3A_27 = vector.broadcast %log3A : vector<1x3072xf32> to vector<16x3072xf32>
    %sub3A_28 = vector.broadcast %min3A_26 : vector<16x1xf32> to vector<16x3072xf32>
    %sub3A_29 = arith.subf %sub3A_27, %sub3A_28 : vector<16x3072xf32>
    %abs3A = math.absf %sub3A_29 : vector<16x3072xf32>
    %iota3A_30 = tpu.iota {dimensions = array<i32: 0>} : vector<16x3072xi32>
    %reduce_min3A_31 = arith.constant dense<0x7F800000> : vector<3072xf32>
    %reduce_min3A_32 = vector.multi_reduction <minimumf>, %abs3A, %reduce_min3A_31 [0] : vector<16x3072xf32> to vector<3072xf32>
    %broadcast_in_dim3A_33 = vector.shape_cast %reduce_min3A_32 : vector<3072xf32> to vector<1x3072xf32>
    %eq3A_34 = vector.broadcast %broadcast_in_dim3A_33 : vector<1x3072xf32> to vector<16x3072xf32>
    %eq3A_35 = arith.cmpf oeq, %abs3A, %eq3A_34 : vector<16x3072xf32>
    %jit3A_36 = arith.constant 16 : i32
    %broadcast_in_dim3A_37 = vector.broadcast %jit3A_36 : i32 to vector<16x3072xi32>
    %select_n3A_38 = arith.select %eq3A_35, %iota3A_30, %broadcast_in_dim3A_37 : vector<16x3072xi1>, vector<16x3072xi32>
    %reduce_min3A_39 = arith.constant dense<2147483647> : vector<3072xi32>
    %reduce_min3A_40 = vector.multi_reduction <minsi>, %select_n3A_38, %reduce_min3A_39 [0] : vector<16x3072xi32> to vector<3072xi32>
    %broadcast_in_dim3A_41 = vector.shape_cast %reduce_min3A_40 : vector<3072xi32> to vector<1x3072xi32>
    %eq3A_42 = vector.broadcast %broadcast_in_dim3A_41 : vector<1x3072xi32> to vector<16x3072xi32>
    %eq3A_43 = arith.cmpi eq, %iota3A_30, %eq3A_42 : vector<16x3072xi32>
    %mul3A_44 = arith.constant 0.000000e+00 : f32
    %mul3A_45 = vector.broadcast %mul3A_44 : f32 to vector<16x3072xf32>
    %mul3A_46 = arith.mulf %mul3A_45, %abs3A : vector<16x3072xf32>
    %add3A_47 = vector.broadcast %min3A_26 : vector<16x1xf32> to vector<16x3072xf32>
    %add3A_48 = arith.addf %add3A_47, %mul3A_46 : vector<16x3072xf32>
    %jit3A_49 = arith.constant 0xFF800000 : f32
    %broadcast_in_dim3A_50 = vector.broadcast %jit3A_49 : f32 to vector<16x3072xf32>
    %select_n3A_51 = arith.select %eq3A_43, %add3A_48, %broadcast_in_dim3A_50 : vector<16x3072xi1>, vector<16x3072xf32>
    %reduce_max3A_52 = arith.constant dense<0xFF800000> : vector<3072xf32>
    %reduce_max3A_53 = vector.multi_reduction <maximumf>, %select_n3A_51, %reduce_max3A_52 [0] : vector<16x3072xf32> to vector<3072xf32>
    %broadcast_in_dim3A_54 = vector.shape_cast %reduce_max3A_53 : vector<3072xf32> to vector<1x3072xf32>
    %eq3A_55 = vector.broadcast %broadcast_in_dim3A_41 : vector<1x3072xi32> to vector<16x3072xi32>
    %eq3A_56 = arith.cmpi eq, %iota3A_30, %eq3A_55 : vector<16x3072xi32>
    %jit3A_57 = arith.constant 0x7F800000 : f32
    %broadcast_in_dim3A_58 = vector.broadcast %jit3A_57 : f32 to vector<16x3072xf32>
    %select_n3A_59 = arith.select %eq3A_56, %broadcast_in_dim3A_58, %abs3A : vector<16x3072xi1>, vector<16x3072xf32>
    %reduce_min3A_60 = arith.constant dense<0x7F800000> : vector<3072xf32>
    %reduce_min3A_61 = vector.multi_reduction <minimumf>, %select_n3A_59, %reduce_min3A_60 [0] : vector<16x3072xf32> to vector<3072xf32>
    %broadcast_in_dim3A_62 = vector.shape_cast %reduce_min3A_61 : vector<3072xf32> to vector<1x3072xf32>
    %eq3A_63 = vector.broadcast %broadcast_in_dim3A_62 : vector<1x3072xf32> to vector<16x3072xf32>
    %eq3A_64 = arith.cmpf oeq, %select_n3A_59, %eq3A_63 : vector<16x3072xf32>
    %jit3A_65 = arith.constant 16 : i32
    %broadcast_in_dim3A_66 = vector.broadcast %jit3A_65 : i32 to vector<16x3072xi32>
    %select_n3A_67 = arith.select %eq3A_64, %iota3A_30, %broadcast_in_dim3A_66 : vector<16x3072xi1>, vector<16x3072xi32>
    %reduce_min3A_68 = arith.constant dense<2147483647> : vector<3072xi32>
    %reduce_min3A_69 = vector.multi_reduction <minsi>, %select_n3A_67, %reduce_min3A_68 [0] : vector<16x3072xi32> to vector<3072xi32>
    %broadcast_in_dim3A_70 = vector.shape_cast %reduce_min3A_69 : vector<3072xi32> to vector<1x3072xi32>
    %eq3A_71 = vector.broadcast %broadcast_in_dim3A_70 : vector<1x3072xi32> to vector<16x3072xi32>
    %eq3A_72 = arith.cmpi eq, %iota3A_30, %eq3A_71 : vector<16x3072xi32>
    %mul3A_73 = arith.constant 0.000000e+00 : f32
    %mul3A_74 = vector.broadcast %mul3A_73 : f32 to vector<16x3072xf32>
    %mul3A_75 = arith.mulf %mul3A_74, %select_n3A_59 : vector<16x3072xf32>
    %add3A_76 = vector.broadcast %min3A_26 : vector<16x1xf32> to vector<16x3072xf32>
    %add3A_77 = arith.addf %add3A_76, %mul3A_75 : vector<16x3072xf32>
    %jit3A_78 = arith.constant 0xFF800000 : f32
    %broadcast_in_dim3A_79 = vector.broadcast %jit3A_78 : f32 to vector<16x3072xf32>
    %select_n3A_80 = arith.select %eq3A_72, %add3A_77, %broadcast_in_dim3A_79 : vector<16x3072xi1>, vector<16x3072xf32>
    %reduce_max3A_81 = arith.constant dense<0xFF800000> : vector<3072xf32>
    %reduce_max3A_82 = vector.multi_reduction <maximumf>, %select_n3A_80, %reduce_max3A_81 [0] : vector<16x3072xf32> to vector<3072xf32>
    %broadcast_in_dim3A_83 = vector.shape_cast %reduce_max3A_82 : vector<3072xf32> to vector<1x3072xf32>
    %eq3A_84 = vector.broadcast %broadcast_in_dim3A_70 : vector<1x3072xi32> to vector<16x3072xi32>
    %eq3A_85 = arith.cmpi eq, %iota3A_30, %eq3A_84 : vector<16x3072xi32>
    %jit3A_86 = arith.constant 0x7F800000 : f32
    %broadcast_in_dim3A_87 = vector.broadcast %jit3A_86 : f32 to vector<16x3072xf32>
    %select_n3A_88 = arith.select %eq3A_85, %broadcast_in_dim3A_87, %select_n3A_59 : vector<16x3072xi1>, vector<16x3072xf32>
    %reduce_min3A_89 = arith.constant dense<0x7F800000> : vector<3072xf32>
    %reduce_min3A_90 = vector.multi_reduction <minimumf>, %select_n3A_88, %reduce_min3A_89 [0] : vector<16x3072xf32> to vector<3072xf32>
    %broadcast_in_dim3A_91 = vector.shape_cast %reduce_min3A_90 : vector<3072xf32> to vector<1x3072xf32>
    %eq3A_92 = vector.broadcast %broadcast_in_dim3A_91 : vector<1x3072xf32> to vector<16x3072xf32>
    %eq3A_93 = arith.cmpf oeq, %select_n3A_88, %eq3A_92 : vector<16x3072xf32>
    %jit3A_94 = arith.constant 16 : i32
    %broadcast_in_dim3A_95 = vector.broadcast %jit3A_94 : i32 to vector<16x3072xi32>
    %select_n3A_96 = arith.select %eq3A_93, %iota3A_30, %broadcast_in_dim3A_95 : vector<16x3072xi1>, vector<16x3072xi32>
    %reduce_min3A_97 = arith.constant dense<2147483647> : vector<3072xi32>
    %reduce_min3A_98 = vector.multi_reduction <minsi>, %select_n3A_96, %reduce_min3A_97 [0] : vector<16x3072xi32> to vector<3072xi32>
    %broadcast_in_dim3A_99 = vector.shape_cast %reduce_min3A_98 : vector<3072xi32> to vector<1x3072xi32>
    %eq3A_100 = vector.broadcast %broadcast_in_dim3A_99 : vector<1x3072xi32> to vector<16x3072xi32>
    %eq3A_101 = arith.cmpi eq, %iota3A_30, %eq3A_100 : vector<16x3072xi32>
    %mul3A_102 = arith.constant 0.000000e+00 : f32
    %mul3A_103 = vector.broadcast %mul3A_102 : f32 to vector<16x3072xf32>
    %mul3A_104 = arith.mulf %mul3A_103, %select_n3A_88 : vector<16x3072xf32>
    %add3A_105 = vector.broadcast %min3A_26 : vector<16x1xf32> to vector<16x3072xf32>
    %add3A_106 = arith.addf %add3A_105, %mul3A_104 : vector<16x3072xf32>
    %jit3A_107 = arith.constant 0xFF800000 : f32
    %broadcast_in_dim3A_108 = vector.broadcast %jit3A_107 : f32 to vector<16x3072xf32>
    %select_n3A_109 = arith.select %eq3A_101, %add3A_106, %broadcast_in_dim3A_108 : vector<16x3072xi1>, vector<16x3072xf32>
    %reduce_max3A_110 = arith.constant dense<0xFF800000> : vector<3072xf32>
    %reduce_max3A_111 = vector.multi_reduction <maximumf>, %select_n3A_109, %reduce_max3A_110 [0] : vector<16x3072xf32> to vector<3072xf32>
    %broadcast_in_dim3A_112 = vector.shape_cast %reduce_max3A_111 : vector<3072xf32> to vector<1x3072xf32>
    %broadcast_in_dim3A_113 = arith.constant 0x7F800000 : f32
    %broadcast_in_dim3A_114 = vector.broadcast %broadcast_in_dim3A_113 : f32 to vector<1x3072xf32>
    %broadcast_in_dim3A_115 = arith.constant 0 : i32
    %broadcast_in_dim3A_116 = vector.broadcast %broadcast_in_dim3A_115 : i32 to vector<1x3072xi32>
    %broadcast_in_dim3A_117 = arith.constant 1.000000e+00 : f32
    %broadcast_in_dim3A_118 = vector.broadcast %broadcast_in_dim3A_117 : f32 to vector<1x3072xf32>
    %exp3A = math.exp %broadcast_in_dim3A_54 : vector<1x3072xf32>
    %div3A = arith.constant 1.000000e+00 : f32
    %div3A_119 = vector.broadcast %div3A : f32 to vector<1x3072xf32>
    %div3A_120 = arith.divf %div3A_119, %exp3A : vector<1x3072xf32>
    %add3A_121 = arith.addf %exp3A, %div3A_120 : vector<1x3072xf32>
    %mul3A_122 = arith.constant 5.000000e-01 : f32
    %mul3A_123 = vector.broadcast %mul3A_122 : f32 to vector<1x3072xf32>
    %mul3A_124 = arith.mulf %mul3A_123, %add3A_121 : vector<1x3072xf32>
    %div3A_125 = arith.constant 1.000000e+00 : f32
    %div3A_126 = vector.broadcast %div3A_125 : f32 to vector<1x3072xf32>
    %div3A_127 = arith.divf %div3A_126, %exp3A : vector<1x3072xf32>
    %sub3A_128 = arith.subf %exp3A, %div3A_127 : vector<1x3072xf32>
    %mul3A_129 = arith.constant 5.000000e-01 : f32
    %mul3A_130 = vector.broadcast %mul3A_129 : f32 to vector<1x3072xf32>
    %mul3A_131 = arith.mulf %mul3A_130, %sub3A_128 : vector<1x3072xf32>
    %mul3A_132 = arith.mulf %slice3A, %mul3A_124 : vector<1x3072xf32>
    %mul3A_133 = arith.mulf %mul3A_131, %broadcast_in_dim3A : vector<1x3072xf32>
    %sub3A_134 = arith.subf %mul3A_132, %mul3A_133 : vector<1x3072xf32>
    %max3A_135 = arith.constant 1.00000012 : f32
    %max3A_136 = vector.broadcast %max3A_135 : f32 to vector<1x3072xf32>
    %max3A_137 = arith.maximumf %sub3A_134, %max3A_136 : vector<1x3072xf32>
    %sub3A_138 = arith.constant 1.000000e+00 : f32
    %sub3A_139 = vector.broadcast %sub3A_138 : f32 to vector<1x3072xf32>
    %sub3A_140 = arith.subf %max3A_137, %sub3A_139 : vector<1x3072xf32>
    %add3A_141 = arith.constant 1.000000e+00 : f32
    %add3A_142 = vector.broadcast %add3A_141 : f32 to vector<1x3072xf32>
    %add3A_143 = arith.addf %max3A_137, %add3A_142 : vector<1x3072xf32>
    %mul3A_144 = arith.mulf %sub3A_140, %add3A_143 : vector<1x3072xf32>
    %sqrt3A_145 = math.sqrt %mul3A_144 : vector<1x3072xf32>
    %add3A_146 = arith.addf %max3A_137, %sqrt3A_145 : vector<1x3072xf32>
    %log3A_147 = math.log %add3A_146 : vector<1x3072xf32>
    %lt3A = arith.cmpf olt, %log3A_147, %broadcast_in_dim3A_114 : vector<1x3072xf32>
    %select_n3A_148 = arith.select %lt3A, %log3A_147, %broadcast_in_dim3A_114 : vector<1x3072xi1>, vector<1x3072xf32>
    %select_n3A_149 = arith.select %lt3A, %broadcast_in_dim3A_41, %broadcast_in_dim3A_116 : vector<1x3072xi1>, vector<1x3072xi32>
    %select_n3A_150 = arith.select %lt3A, %mul3A_124, %broadcast_in_dim3A_118 : vector<1x3072xi1>, vector<1x3072xf32>
    %exp3A_151 = math.exp %broadcast_in_dim3A_83 : vector<1x3072xf32>
    %div3A_152 = arith.constant 1.000000e+00 : f32
    %div3A_153 = vector.broadcast %div3A_152 : f32 to vector<1x3072xf32>
    %div3A_154 = arith.divf %div3A_153, %exp3A_151 : vector<1x3072xf32>
    %add3A_155 = arith.addf %exp3A_151, %div3A_154 : vector<1x3072xf32>
    %mul3A_156 = arith.constant 5.000000e-01 : f32
    %mul3A_157 = vector.broadcast %mul3A_156 : f32 to vector<1x3072xf32>
    %mul3A_158 = arith.mulf %mul3A_157, %add3A_155 : vector<1x3072xf32>
    %div3A_159 = arith.constant 1.000000e+00 : f32
    %div3A_160 = vector.broadcast %div3A_159 : f32 to vector<1x3072xf32>
    %div3A_161 = arith.divf %div3A_160, %exp3A_151 : vector<1x3072xf32>
    %sub3A_162 = arith.subf %exp3A_151, %div3A_161 : vector<1x3072xf32>
    %mul3A_163 = arith.constant 5.000000e-01 : f32
    %mul3A_164 = vector.broadcast %mul3A_163 : f32 to vector<1x3072xf32>
    %mul3A_165 = arith.mulf %mul3A_164, %sub3A_162 : vector<1x3072xf32>
    %mul3A_166 = arith.mulf %slice3A, %mul3A_158 : vector<1x3072xf32>
    %mul3A_167 = arith.mulf %mul3A_165, %broadcast_in_dim3A : vector<1x3072xf32>
    %sub3A_168 = arith.subf %mul3A_166, %mul3A_167 : vector<1x3072xf32>
    %max3A_169 = arith.constant 1.00000012 : f32
    %max3A_170 = vector.broadcast %max3A_169 : f32 to vector<1x3072xf32>
    %max3A_171 = arith.maximumf %sub3A_168, %max3A_170 : vector<1x3072xf32>
    %sub3A_172 = arith.constant 1.000000e+00 : f32
    %sub3A_173 = vector.broadcast %sub3A_172 : f32 to vector<1x3072xf32>
    %sub3A_174 = arith.subf %max3A_171, %sub3A_173 : vector<1x3072xf32>
    %add3A_175 = arith.constant 1.000000e+00 : f32
    %add3A_176 = vector.broadcast %add3A_175 : f32 to vector<1x3072xf32>
    %add3A_177 = arith.addf %max3A_171, %add3A_176 : vector<1x3072xf32>
    %mul3A_178 = arith.mulf %sub3A_174, %add3A_177 : vector<1x3072xf32>
    %sqrt3A_179 = math.sqrt %mul3A_178 : vector<1x3072xf32>
    %add3A_180 = arith.addf %max3A_171, %sqrt3A_179 : vector<1x3072xf32>
    %log3A_181 = math.log %add3A_180 : vector<1x3072xf32>
    %lt3A_182 = arith.cmpf olt, %log3A_181, %select_n3A_148 : vector<1x3072xf32>
    %select_n3A_183 = arith.select %lt3A_182, %log3A_181, %select_n3A_148 : vector<1x3072xi1>, vector<1x3072xf32>
    %select_n3A_184 = arith.select %lt3A_182, %broadcast_in_dim3A_70, %select_n3A_149 : vector<1x3072xi1>, vector<1x3072xi32>
    %select_n3A_185 = arith.select %lt3A_182, %mul3A_158, %select_n3A_150 : vector<1x3072xi1>, vector<1x3072xf32>
    %exp3A_186 = math.exp %broadcast_in_dim3A_112 : vector<1x3072xf32>
    %div3A_187 = arith.constant 1.000000e+00 : f32
    %div3A_188 = vector.broadcast %div3A_187 : f32 to vector<1x3072xf32>
    %div3A_189 = arith.divf %div3A_188, %exp3A_186 : vector<1x3072xf32>
    %add3A_190 = arith.addf %exp3A_186, %div3A_189 : vector<1x3072xf32>
    %mul3A_191 = arith.constant 5.000000e-01 : f32
    %mul3A_192 = vector.broadcast %mul3A_191 : f32 to vector<1x3072xf32>
    %mul3A_193 = arith.mulf %mul3A_192, %add3A_190 : vector<1x3072xf32>
    %div3A_194 = arith.constant 1.000000e+00 : f32
    %div3A_195 = vector.broadcast %div3A_194 : f32 to vector<1x3072xf32>
    %div3A_196 = arith.divf %div3A_195, %exp3A_186 : vector<1x3072xf32>
    %sub3A_197 = arith.subf %exp3A_186, %div3A_196 : vector<1x3072xf32>
    %mul3A_198 = arith.constant 5.000000e-01 : f32
    %mul3A_199 = vector.broadcast %mul3A_198 : f32 to vector<1x3072xf32>
    %mul3A_200 = arith.mulf %mul3A_199, %sub3A_197 : vector<1x3072xf32>
    %mul3A_201 = arith.mulf %slice3A, %mul3A_193 : vector<1x3072xf32>
    %mul3A_202 = arith.mulf %mul3A_200, %broadcast_in_dim3A : vector<1x3072xf32>
    %sub3A_203 = arith.subf %mul3A_201, %mul3A_202 : vector<1x3072xf32>
    %max3A_204 = arith.constant 1.00000012 : f32
    %max3A_205 = vector.broadcast %max3A_204 : f32 to vector<1x3072xf32>
    %max3A_206 = arith.maximumf %sub3A_203, %max3A_205 : vector<1x3072xf32>
    %sub3A_207 = arith.constant 1.000000e+00 : f32
    %sub3A_208 = vector.broadcast %sub3A_207 : f32 to vector<1x3072xf32>
    %sub3A_209 = arith.subf %max3A_206, %sub3A_208 : vector<1x3072xf32>
    %add3A_210 = arith.constant 1.000000e+00 : f32
    %add3A_211 = vector.broadcast %add3A_210 : f32 to vector<1x3072xf32>
    %add3A_212 = arith.addf %max3A_206, %add3A_211 : vector<1x3072xf32>
    %mul3A_213 = arith.mulf %sub3A_209, %add3A_212 : vector<1x3072xf32>
    %sqrt3A_214 = math.sqrt %mul3A_213 : vector<1x3072xf32>
    %add3A_215 = arith.addf %max3A_206, %sqrt3A_214 : vector<1x3072xf32>
    %log3A_216 = math.log %add3A_215 : vector<1x3072xf32>
    %lt3A_217 = arith.cmpf olt, %log3A_216, %select_n3A_183 : vector<1x3072xf32>
    %select_n3A_218 = arith.select %lt3A_217, %log3A_216, %select_n3A_183 : vector<1x3072xi1>, vector<1x3072xf32>
    %select_n3A_219 = arith.select %lt3A_217, %broadcast_in_dim3A_99, %select_n3A_184 : vector<1x3072xi1>, vector<1x3072xi32>
    %select_n3A_220 = arith.select %lt3A_217, %mul3A_193, %select_n3A_185 : vector<1x3072xi1>, vector<1x3072xf32>
    %mul3A_221 = arith.constant 512 : i32
    %mul3A_222 = vector.broadcast %mul3A_221 : i32 to vector<1x3072xi32>
    %mul3A_223 = arith.muli %select_n3A_219, %mul3A_222 : vector<1x3072xi32>
    %add3A_224 = arith.addi %mul3A_223, %broadcast_in_dim3A_18 : vector<1x3072xi32>
    %swap3A = arith.constant 0 : index
    %swap3A_225 = arith.constant 0 : index
    %swap3A_226 = vector.load %arg4[%swap3A, %swap3A_225] : memref<1x3072xi32, #tpu.memory_space<vmem>>, vector<1x3072xi32>
    tpu.vector_store %arg4[%swap3A, %swap3A_225], %add3A_224 {strides = array<i32>} : memref<1x3072xi32, #tpu.memory_space<vmem>>, vector<1x3072xi32>,
    %max3A_227 = arith.constant 1.000010e+00 : f32
    %max3A_228 = vector.broadcast %max3A_227 : f32 to vector<1x3072xf32>
    %max3A_229 = arith.maximumf %slice3A, %max3A_228 : vector<1x3072xf32>
    %sub3A_230 = arith.constant 1.000000e+00 : f32
    %sub3A_231 = vector.broadcast %sub3A_230 : f32 to vector<1x3072xf32>
    %sub3A_232 = arith.subf %max3A_229, %sub3A_231 : vector<1x3072xf32>
    %add3A_233 = arith.constant 1.000000e+00 : f32
    %add3A_234 = vector.broadcast %add3A_233 : f32 to vector<1x3072xf32>
    %add3A_235 = arith.addf %max3A_229, %add3A_234 : vector<1x3072xf32>
    %mul3A_236 = arith.mulf %sub3A_232, %add3A_235 : vector<1x3072xf32>
    %sqrt3A_237 = math.sqrt %mul3A_236 : vector<1x3072xf32>
    %add3A_238 = arith.addf %max3A_229, %sqrt3A_237 : vector<1x3072xf32>
    %log3A_239 = math.log %add3A_238 : vector<1x3072xf32>
    %max3A_240 = arith.constant 1.000010e+00 : f32
    %max3A_241 = vector.broadcast %max3A_240 : f32 to vector<1x3072xf32>
    %max3A_242 = arith.maximumf %select_n3A_220, %max3A_241 : vector<1x3072xf32>
    %sub3A_243 = arith.constant 1.000000e+00 : f32
    %sub3A_244 = vector.broadcast %sub3A_243 : f32 to vector<1x3072xf32>
    %sub3A_245 = arith.subf %max3A_242, %sub3A_244 : vector<1x3072xf32>
    %add3A_246 = arith.constant 1.000000e+00 : f32
    %add3A_247 = vector.broadcast %add3A_246 : f32 to vector<1x3072xf32>
    %add3A_248 = arith.addf %max3A_242, %add3A_247 : vector<1x3072xf32>
    %mul3A_249 = arith.mulf %sub3A_245, %add3A_248 : vector<1x3072xf32>
    %sqrt3A_250 = math.sqrt %mul3A_249 : vector<1x3072xf32>
    %add3A_251 = arith.addf %max3A_242, %sqrt3A_250 : vector<1x3072xf32>
    %log3A_252 = math.log %add3A_251 : vector<1x3072xf32>
    %sub3A_253 = arith.subf %log3A_239, %log3A_252 : vector<1x3072xf32>
    %abs3A_254 = math.absf %sub3A_253 : vector<1x3072xf32>
    %add3A_255 = arith.addf %select_n3A_218, %abs3A_254 : vector<1x3072xf32>
    %reduce_sum3A = vector.shape_cast %add3A_255 : vector<1x3072xf32> to vector<1x1x3072xf32>
    %reduce_sum3A_256 = arith.constant dense<0.000000e+00> : vector<1xf32>
    %reduce_sum3A_257 = vector.multi_reduction <add>, %reduce_sum3A, %reduce_sum3A_256 [1, 2] : vector<1x1x3072xf32> to vector<1xf32>
    %reduce_sum3A_258 = vector.shape_cast %reduce_sum3A_257 : vector<1xf32> to vector<1x1x1xf32>
    %reduce_sum3A_259 = vector.extract %reduce_sum3A_258[0, 0, 0] : f32 from vector<1x1x1xf32>
    %eq3A_260 = vector.broadcast %broadcast_in_dim3A_18 : vector<1x3072xi32> to vector<512x3072xi32>
    %eq3A_261 = arith.cmpi eq, %iota3A, %eq3A_260 : vector<512x3072xi32>
    %convert_element_type3A = arith.extui %eq3A_261 : vector<512x3072xi1> to vector<512x3072xi32>
    %convert_element_type3A_262 = arith.sitofp %convert_element_type3A : vector<512x3072xi32> to vector<512x3072xf32>
    %convert_element_type3A_263 = arith.truncf %convert_element_type3A_262 : vector<512x3072xf32> to vector<512x3072xbf16>
    %eq3A_264 = vector.broadcast %select_n3A_219 : vector<1x3072xi32> to vector<16x3072xi32>
    %eq3A_265 = arith.cmpi eq, %iota3A_30, %eq3A_264 : vector<16x3072xi32>
    %convert_element_type3A_266 = arith.extui %eq3A_265 : vector<16x3072xi1> to vector<16x3072xi32>
    %convert_element_type3A_267 = arith.sitofp %convert_element_type3A_266 : vector<16x3072xi32> to vector<16x3072xf32>
    %convert_element_type3A_268 = arith.truncf %convert_element_type3A_267 : vector<16x3072xf32> to vector<16x3072xbf16>
    %dot_general3A_269 = arith.constant dense<0.000000e+00> : vector<16x512xf32>
    %dot_general3A_270 = tpu.matmul %convert_element_type3A_268, %convert_element_type3A_263, %dot_general3A_269 {dimension_numbers = #tpu.dot_dimension_numbers<[1], [1], [0], [0], [0, 0, 1, 0], [], []>, transpose_lhs_hint = false} : vector<16x3072xbf16>, vector<512x3072xbf16>, vector<16x512xf32> -> vector<16x512xf32>
    %eq3A_271 = arith.constant 0 : i32
    %eq3A_272 = arith.cmpi eq, %arg0, %eq3A_271 : i32
    %convert_element_type3A_273 = arith.extui %eq3A_272 : i1 to i32
    %cond3A = arith.constant 0 : i32
    %cond3A_274 = arith.cmpi ne, %convert_element_type3A_273, %cond3A : i32
    scf.if %cond3A_274 {
      %swap3A_284 = arith.constant 0 : index
      %swap3A_285 = arith.constant 0 : index
      %swap3A_286 = vector.load %arg5[%swap3A_284, %swap3A_285] : memref<16x512xf32, #tpu.memory_space<vmem>>, vector<16x512xf32>
      tpu.vector_store %arg5[%swap3A_284, %swap3A_285], %dot_general3A_270 {strides = array<i32>} : memref<16x512xf32, #tpu.memory_space<vmem>>, vector<16x512xf32>,
      %reshape3A = vector.broadcast %reduce_sum3A_259 : f32 to vector<1x1xf32>
      %swap3A_287 = arith.constant 0 : index
      %swap3A_288 = arith.constant 0 : index
      %swap3A_289 = vector.load %arg6[%swap3A_287, %swap3A_288] : memref<1x1xf32, #tpu.memory_space<vmem>>, vector<1x1xf32>
      tpu.vector_store %arg6[%swap3A_287, %swap3A_288], %reshape3A {strides = array<i32>} : memref<1x1xf32, #tpu.memory_space<vmem>>, vector<1x1xf32>,
    } else {
    }
    %gt3A = arith.constant 0 : i32
    %gt3A_275 = arith.cmpi sgt, %arg0, %gt3A : i32
    %convert_element_type3A_276 = arith.extui %gt3A_275 : i1 to i32
    %cond3A_277 = arith.constant 0 : i32
    %cond3A_278 = arith.cmpi ne, %convert_element_type3A_276, %cond3A_277 : i32
    scf.if %cond3A_278 {
      %get3A_284 = arith.constant 0 : index
      %get3A_285 = arith.constant 0 : index
      %get3A_286 = vector.load %arg5[%get3A_284, %get3A_285] : memref<16x512xf32, #tpu.memory_space<vmem>>, vector<16x512xf32>
      %add3A_287 = arith.addf %get3A_286, %dot_general3A_270 : vector<16x512xf32>
      %swap3A_288 = arith.constant 0 : index
      %swap3A_289 = arith.constant 0 : index
      %swap3A_290 = vector.load %arg5[%swap3A_288, %swap3A_289] : memref<16x512xf32, #tpu.memory_space<vmem>>, vector<16x512xf32>
      tpu.vector_store %arg5[%swap3A_288, %swap3A_289], %add3A_287 {strides = array<i32>} : memref<16x512xf32, #tpu.memory_space<vmem>>, vector<16x512xf32>,
      %get3A_291 = arith.constant 0 : index
      %get3A_292 = arith.constant 0 : index
      %get3A_293 = vector.load %arg6[%get3A_291, %get3A_292] : memref<1x1xf32, #tpu.memory_space<vmem>>, vector<1x1xf32>
      %reshape3A = vector.broadcast %reduce_sum3A_259 : f32 to vector<1x1xf32>
      %add3A_294 = arith.addf %get3A_293, %reshape3A : vector<1x1xf32>
      %swap3A_295 = arith.constant 0 : index
      %swap3A_296 = arith.constant 0 : index
      %swap3A_297 = vector.load %arg6[%swap3A_295, %swap3A_296] : memref<1x1xf32, #tpu.memory_space<vmem>>, vector<1x1xf32>
      tpu.vector_store %arg6[%swap3A_295, %swap3A_296], %add3A_294 {strides = array<i32>} : memref<1x1xf32, #tpu.memory_space<vmem>>, vector<1x1xf32>,
    } else {
    }
    %eq3A_279 = arith.constant 11 : i32
    %eq3A_280 = arith.cmpi eq, %arg0, %eq3A_279 : i32
    %convert_element_type3A_281 = arith.extui %eq3A_280 : i1 to i32
    %cond3A_282 = arith.constant 0 : i32
    %cond3A_283 = arith.cmpi ne, %convert_element_type3A_281, %cond3A_282 : i32
    scf.if %cond3A_283 {
      %get3A_284 = arith.constant 0 : index
      %get3A_285 = arith.constant 0 : index
      %get3A_286 = vector.load %arg5[%get3A_284, %get3A_285] : memref<16x512xf32, #tpu.memory_space<vmem>>, vector<16x512xf32>
      %mul3A_287 = arith.constant 2.71267363E-5 : f32
      %mul3A_288 = vector.broadcast %mul3A_287 : f32 to vector<16x512xf32>
      %mul3A_289 = arith.mulf %get3A_286, %mul3A_288 : vector<16x512xf32>
      %swap3A_290 = arith.constant 0 : index
      %swap3A_291 = arith.constant 0 : index
      %swap3A_292 = vector.load %arg8[%swap3A_290, %swap3A_291] : memref<16x512xf32, #tpu.memory_space<vmem>>, vector<16x512xf32>
      tpu.vector_store %arg8[%swap3A_290, %swap3A_291], %mul3A_289 {strides = array<i32>} : memref<16x512xf32, #tpu.memory_space<vmem>>, vector<16x512xf32>,
      %add3A_293 = arith.constant 1.000000e-10 : f32
      %add3A_294 = vector.broadcast %add3A_293 : f32 to vector<16x512xf32>
      %add3A_295 = arith.addf %mul3A_289, %add3A_294 : vector<16x512xf32>
      %log3A_296 = math.log %add3A_295 : vector<16x512xf32>
      %mul3A_297 = arith.mulf %mul3A_289, %log3A_296 : vector<16x512xf32>
      %reduce_sum3A_298 = vector.shape_cast %mul3A_297 : vector<16x512xf32> to vector<1x16x512xf32>
      %reduce_sum3A_299 = arith.constant dense<0.000000e+00> : vector<1xf32>
      %reduce_sum3A_300 = vector.multi_reduction <add>, %reduce_sum3A_298, %reduce_sum3A_299 [1, 2] : vector<1x16x512xf32> to vector<1xf32>
      %reduce_sum3A_301 = vector.shape_cast %reduce_sum3A_300 : vector<1xf32> to vector<1x1x1xf32>
      %reduce_sum3A_302 = vector.extract %reduce_sum3A_301[0, 0, 0] : f32 from vector<1x1x1xf32>
      %neg3A = arith.constant 0.000000e+00 : f32
      %neg3A_303 = arith.subf %neg3A, %reduce_sum3A_302 : f32
      %reshape3A = vector.broadcast %neg3A_303 : f32 to vector<1x1xf32>
      %swap3A_304 = arith.constant 0 : index
      %swap3A_305 = arith.constant 0 : index
      %swap3A_306 = vector.load %arg9[%swap3A_304, %swap3A_305] : memref<1x1xf32, #tpu.memory_space<vmem>>, vector<1x1xf32>
      tpu.vector_store %arg9[%swap3A_304, %swap3A_305], %reshape3A {strides = array<i32>} : memref<1x1xf32, #tpu.memory_space<vmem>>, vector<1x1xf32>,
      %exp3A_307 = math.exp %neg3A_303 : f32
      %reshape3A_308 = vector.broadcast %exp3A_307 : f32 to vector<1x1xf32>
      %swap3A_309 = arith.constant 0 : index
      %swap3A_310 = arith.constant 0 : index
      %swap3A_311 = vector.load %arg10[%swap3A_309, %swap3A_310] : memref<1x1xf32, #tpu.memory_space<vmem>>, vector<1x1xf32>
      tpu.vector_store %arg10[%swap3A_309, %swap3A_310], %reshape3A_308 {strides = array<i32>} : memref<1x1xf32, #tpu.memory_space<vmem>>, vector<1x1xf32>,
      %get3A_312 = arith.constant 0 : index
      %get3A_313 = arith.constant 0 : index
      %get3A_314 = vector.load %arg6[%get3A_312, %get3A_313] : memref<1x1xf32, #tpu.memory_space<vmem>>, vector<1x1xf32>
      %mul3A_315 = arith.constant 1.250000e+00 : f32
      %mul3A_316 = vector.broadcast %mul3A_315 : f32 to vector<1x1xf32>
      %mul3A_317 = arith.mulf %mul3A_316, %get3A_314 : vector<1x1xf32>
      %mul3A_318 = arith.constant 2.71267363E-5 : f32
      %mul3A_319 = vector.broadcast %mul3A_318 : f32 to vector<1x1xf32>
      %mul3A_320 = arith.mulf %mul3A_317, %mul3A_319 : vector<1x1xf32>
      %swap3A_321 = arith.constant 0 : index
      %swap3A_322 = arith.constant 0 : index
      %swap3A_323 = vector.load %arg7[%swap3A_321, %swap3A_322] : memref<1x1xf32, #tpu.memory_space<vmem>>, vector<1x1xf32>
      tpu.vector_store %arg7[%swap3A_321, %swap3A_322], %mul3A_320 {strides = array<i32>} : memref<1x1xf32, #tpu.memory_space<vmem>>, vector<1x1xf32>,
    } else {
    }
    return
  }
  func.func @transform_0(%arg0: i32) -> (i32, i32) {
    %c0_i32 = arith.constant 0 : i32
    %c0_i32_0 = arith.constant 0 : i32
    return %arg0, %c0_i32 : i32, i32
  }
  func.func @transform_1(%arg0: i32) -> (i32, i32) {
    %c0_i32 = arith.constant 0 : i32
    %c0_i32_0 = arith.constant 0 : i32
    %c0_i32_1 = arith.constant 0 : i32
    return %c0_i32, %c0_i32_0 : i32, i32
  }
  func.func @transform_2(%arg0: i32) -> (i32, i32) {
    %c0_i32 = arith.constant 0 : i32
    %c0_i32_0 = arith.constant 0 : i32
    %c0_i32_1 = arith.constant 0 : i32
    return %c0_i32, %c0_i32_0 : i32, i32
  }
  func.func @transform_3(%arg0: i32) -> (i32, i32) {
    %c0_i32 = arith.constant 0 : i32
    %c0_i32_0 = arith.constant 0 : i32
    return %c0_i32, %arg0 : i32, i32
  }
  func.func @transform_4(%arg0: i32) -> (i32, i32) {
    %c0_i32 = arith.constant 0 : i32
    %c0_i32_0 = arith.constant 0 : i32
    %c0_i32_1 = arith.constant 0 : i32
    return %c0_i32, %c0_i32_0 : i32, i32
  }
  func.func @transform_5(%arg0: i32) -> (i32, i32) {
    %c0_i32 = arith.constant 0 : i32
    %c0_i32_0 = arith.constant 0 : i32
    %c0_i32_1 = arith.constant 0 : i32
    return %c0_i32, %c0_i32_0 : i32, i32
  }
  func.func @transform_6(%arg0: i32) -> (i32, i32) {
    %c0_i32 = arith.constant 0 : i32
    %c0_i32_0 = arith.constant 0 : i32
    %c0_i32_1 = arith.constant 0 : i32
    return %c0_i32, %c0_i32_0 : i32, i32
  }
  func.func @transform_7(%arg0: i32) -> (i32, i32) {
    %c0_i32 = arith.constant 0 : i32
    %c0_i32_0 = arith.constant 0 : i32
    %c0_i32_1 = arith.constant 0 : i32
    return %c0_i32, %c0_i32_0 : i32, i32
  }
  func.func @transform_8(%arg0: i32) -> (i32, i32) {
    %c0_i32 = arith.constant 0 : i32
    %c0_i32_0 = arith.constant 0 : i32
    %c0_i32_1 = arith.constant 0 : i32
    return %c0_i32, %c0_i32_0 : i32, i32
  }
  func.func @transform_9(%arg0: i32) -> (i32, i32) {
    %c0_i32 = arith.constant 0 : i32
    %c0_i32_0 = arith.constant 0 : i32
    %c0_i32_1 = arith.constant 0 : i32
    return %c0_i32, %c0_i32_0 : i32, i32
  }
}

</mosaic_0001>

<sc_bundles>
// kernel: kernel.5.cloned.1.call-start
scs
__scs_entry_jumppad:
0x0: {  	(pc) =	sbr.rel $0x88, $3  }
0x1: {  	(tag) =	ssettag $0x0;
	lr =	simm.s32 $0x1  }
0x2: {  	[smem:$0x3F9E] =	sst lr;
	_ =	strace $0xD0000000  }
0x3: {  	_ = 	snop  }
0x4: {  	_ = 	snop  }
0x5: {  	_ = 	snop  }
0x6: {  	_ = 	snop  }
0x7: {  	_ = 	snop  }
__scs_overlays_trampoline_lowered:
0x8: {  	[smem:$0x3FAD] =	sst s0  }
0x9: {  	[smem:$0x3FAE] =	sst s1  }
0xa: {  	[smem:$0x3FAF] =	sst s2  }
0xb: {  	[smem:$0x3FB0] =	sst s3  }
0xc: {  	[smem:$0x3FB1] =	sst s4  }
0xd: {  	[smem:$0x3FB2] =	sst s5  }
0xe: {  	[smem:$0x3FB3] =	sst s6  }
0xf: {  	[smem:$0x3FB4] =	sst s7  }
0x10: {  	[smem:$0x3FB5] =	sst s8  }
0x11: {  	[smem:$0x3FB6] =	sst s9;
	s0 =	simm.s32 @!p0 $0x0  }
0x12: {  	s1 =	sld [smem:$0x3F9C];
	s0 =	simm.s32 @p0 $0x1  }
0x13: {  	[smem:$0x3FB7] =	sst s0;
	s0 =	simm.s32 @!p1 $0x0  }
0x14: {  	s2 =	sld [smem:$0x3F9B];
	s0 =	simm.s32 @p1 $0x1  }
0x15: {  	[smem:$0x3FB8] =	sst s0;
	s0 =	simm.s32 @!p2 $0x0  }
0x16: {  	s3 =	sld [smem:$0x3FDB];
	s0 =	simm.s32 @p2 $0x1  }
0x17: {  	s4 =	simm.s32 $0x1BF5;
	[smem:$0x3FBA] =	sst s0  }
0x18: {  	s0 =	sld [smem:$0x3F9D];
	_ =	swait.ge [sflag:s4], $0x0  }
0x19: {  	s7 =	sld [smem:$0x3F9E]  }
0x1a: {  	s8 =	sadd.s32 $0xFFFFE003, lr  }
0x1b: {  	s9 =	sadd.s32 $0xFFFFFEF7, lr;
	s5 =	simm.s32 $0xFFFFFFFF;
	p2 =	slt.u32 s8, $0xFFFFF086  }
0x1c: {  	p1 =	slt.u32 s9, $0xF7A;
	s5 =	simm.s32 @!p2 $0x0  }
0x1d: {  	s5 =	simm.s32 @p1 $0x1;
	p0 =	seq.s32 s7, s2  }
0x1e: {  	s7 =	smul.u32 @!p0 $0xF7A, s2;
	p2 =	seq.s32 @!p0 s5, $0x0  }
0x1f: {  	s9 =	smul.u32 $0xF7A, s1;
	s8 =	simm.s32 @!p0 $0x1BF5;
	p2 =	por !p2, p0  }
0x20: {  	[sflag:s8] =	ssyncset.s32 @!p0 $0xFFFFF086;
	s6 =	sadd.s32 @!p0 s3, s7;
	s7 =	simm.s32 @!p0 $0x108  }
0x21: {  	s3 =	sadd.s32 s3, s9;
	s6 =	sadd.s32 @!p0 $0x88, s6;
	s7 =	simm.s32 @p2 $0x1082  }
0x22: {  	[simem:s7], [sflag:s8] =	dma.local @!p0 [hbm:s6], $0xF7A  }
0x23: {  	s9 =	sor.u32 $0xD0000000, s2;
	s6 =	simm.s32 $0x108;
	_ =	swait.ge @!p0 [sflag:s8], $0x0  }
0x24: {  	s3 =	sadd.s32 $0x88, s3;
	s6 =	simm.s32 @!p1 $0x1082;
	[sflag:s4] =	ssyncset.s32 $0xFFFFF086  }
0x25: {  	[simem:s6], [sflag:s4] =	dma.local [hbm:s3], $0xF7A  }
0x26: {  	[smem:$0x3F9E] =	sst s1;
	(tag) =	ssettag s2;
	_ =	strace s9  }
0x27: {  	s1 =	sld [smem:$0x3FAE]  }
0x28: {  	s2 =	sld [smem:$0x3FAF]  }
0x29: {  	s4 =	sld [smem:$0x3FB1]  }
0x2a: {  	p0 =	seq.s32 s5, $0x0;
	s5 =	sld [smem:$0x3FB2]  }
0x2b: {  	s6 =	sld [smem:$0x3FB3]  }
0x2c: {  	s7 =	sld [smem:$0x3FB4]  }
0x2d: {  	s3 =	simm.s32 $0x108;
	s8 =	sld [smem:$0x3FB5]  }
0x2e: {  	s3 =	simm.s32 @!p0 $0x1082;
	s9 =	sld [smem:$0x3FB6]  }
0x2f: {  	lr =	sadd.s32 s0, s3;
	s0 =	sld [smem:$0x3FAD]  }
0x30: {  	s3 =	sld [smem:$0x3FB0]  }
0x31: {  	[smem:$0x3FB9] =	sst s10  }
0x32: {  	s10 =	sld [smem:$0x3FB7];
	_ =	sdelay $0x3  }
0x33: {  	p0 =	seq.s32 s10, $0x1;
	s10 =	sld [smem:$0x3FB9];
	_ =	sdelay $0x3  }
0x34: {  	[smem:$0x3FB9] =	sst s10  }
0x35: {  	s10 =	sld [smem:$0x3FB8];
	_ =	sdelay $0x3  }
0x36: {  	p1 =	seq.s32 s10, $0x1;
	s10 =	sld [smem:$0x3FB9];
	_ =	sdelay $0x3  }
0x37: {  	[smem:$0x3FB9] =	sst s10  }
0x38: {  	s10 =	sld [smem:$0x3FBA]  }
0x39: {  	_ = 	snop;
	(pc) =	sbr.ind lr, $3  }
0x3a: {  	_ = 	snop  }
0x3b: {  	_ = 	snop  }
0x3c: {  	p2 =	seq.s32 s10, $0x1;
	s10 =	sld [smem:$0x3FB9]  }
0x3d: {  	_ =	shalt  }
0x3e: {  	_ =	shalt  }
0x3f: {  	_ =	shalt  }
0x40: {  	_ =	shalt  }
0x41: {  	_ =	shalt  }
0x42: {  	_ =	shalt  }
0x43: {  	_ =	shalt  }
0x44: {  	_ =	shalt  }
0x45: {  	_ =	shalt  }
0x46: {  	_ =	shalt  }
0x47: {  	_ =	shalt  }
0x48: {  	_ =	shalt  }
0x49: {  	_ =	shalt  }
0x4a: {  	_ =	shalt  }
0x4b: {  	_ =	shalt  }
0x4c: {  	_ =	shalt  }
0x4d: {  	_ =	shalt  }
0x4e: {  	_ =	shalt  }
0x4f: {  	_ =	shalt  }
0x50: {  	_ =	shalt  }
0x51: {  	_ =	shalt  }
0x52: {  	_ =	shalt  }
0x53: {  	_ =	shalt  }
0x54: {  	_ =	shalt  }
0x55: {  	_ =	shalt  }
0x56: {  	_ =	shalt  }
0x57: {  	_ =	shalt  }
0x58: {  	_ =	shalt  }
0x59: {  	_ =	shalt  }
0x5a: {  	_ =	shalt  }
0x5b: {  	_ =	shalt  }
0x5c: {  	_ =	shalt  }
0x5d: {  	_ =	shalt  }
0x5e: {  	_ =	shalt  }
0x5f: {  	_ =	shalt  }
0x60: {  	_ =	shalt  }
0x61: {  	_ =	shalt  }
0x62: {  	_ =	shalt  }
0x63: {  	_ =	shalt  }
0x64: {  	_ =	shalt  }
0x65: {  	_ =	shalt  }
0x66: {  	_ =	shalt  }
0x67: {  	_ =	shalt  }
0x68: {  	_ =	shalt  }
0x69: {  	_ =	shalt  }
0x6a: {  	_ =	shalt  }
0x6b: {  	_ =	shalt  }
0x6c: {  	_ =	shalt  }
0x6d: {  	_ =	shalt  }
0x6e: {  	_ =	shalt  }
0x6f: {  	_ =	shalt  }
0x70: {  	_ =	shalt  }
0x71: {  	_ =	shalt  }
0x72: {  	_ =	shalt  }
0x73: {  	_ =	shalt  }
0x74: {  	_ =	shalt  }
0x75: {  	_ =	shalt  }
0x76: {  	_ =	shalt  }
0x77: {  	_ =	shalt  }
0x78: {  	_ =	shalt  }
0x79: {  	_ =	shalt  }
0x7a: {  	_ =	shalt  }
0x7b: {  	_ =	shalt  }
0x7c: {  	_ =	shalt  }
0x7d: {  	_ =	shalt  }
0x7e: {  	_ =	shalt  }
0x7f: {  	_ =	shalt  }
0x80: {  	_ =	shalt  }
0x81: {  	_ =	shalt  }
0x82: {  	_ =	shalt  }
0x83: {  	_ =	shalt  }
0x84: {  	_ =	shalt  }
0x85: {  	_ =	shalt  }
0x86: {  	_ =	shalt  }
0x87: {  	_ =	shalt  }
.Lfunc_end0:
.L_simem_size_0:
called_computation_lowered:
.L_overlay_start_0:
0x88: {  	s2 =	sld [smem:$0x3FD9]  }
0x89: {  	s3 =	sld [smem:$0x3FFE];
	_ =	sdelay $0x1  }
0x8a: {  	s1 =	srdreg.scid  }
0x8b: {  	s0 =	sand.u32 $0x1, s1  }
0x8c: {  	s14 =	sshll.u32 s0, $0xA;
	s2 =	sadd.s32 s3, s2  }
0x8d: {  	s2 =	sadd.s32 s2, s14  }
0x8e: {  	[smem:$0x3FC5] =	sst s2  }
0x8f: {  	_ = 	snop  }
0x90: {  	s2 =	sld [smem:$0x3FD0];
	_ =	sdelay $0x2  }
0x91: {  	s15 =	simm.s32 $0xA;
	s4 =	simm.s32 $0x10  }
0x92: {  	[smem:s4], [sflag:s15] =	dma.local [hbm:s2], $0x1  }
0x93: {  	_ =	swait.eq [sflag:s15], $0x1  }
0x94: {  	[sflag:s15] =	ssyncset.done $0x0  }
0x95: {  	[sflag:s15] =	ssyncadd.s32 $0xFFFFFFFF  }
0x96: {  	s16 =	sld [smem:$0x11];
	(tm) =	ssettm $0x1  }
0x97: {  	s17 =	sld [smem:$0x3FFB];
	_ =	sdelay $0x3  }
0x98: {  	_ =	strace s17  }
0x99: {  	s3 =	sld [smem:$0x3FFC];
	_ =	sdelay $0x3  }
0x9a: {  	_ =	strace s3  }
0x9b: {  	s3 =	sld [smem:$0x3FFD];
	_ =	sdelay $0x3  }
0x9c: {  	_ =	strace s3  }
0x9d: {  	_ =	strace $0x8FFFFFFF  }
0x9e: {  	s18 =	sld [smem:$0x3FDB];
	_ =	sdelay $0x1  }
0x9f: {  	s19 =	simm.s32 $_scs_section_size  }
0xa0: {  	s5 =	simm.s32 $_size__tile_overlayer_lowered;
	s6 =	simm.s32 $_tile_overlayer_lowered  }
0xa1: {  	s22 =	simm.s32 $0x1BFF;
	s21 =	sshll.u32 s6, $0x1;
	s3 =	sadd.s32 s19, s18  }
0xa2: {  	s7 =	simm.s32 $0x0;
	s20 =	sshll.u32 s5, $0x1;
	s5 =	sadd.s32 s21, s3  }
0xa3: {  	[timem:s7], [sflag:s22] =	dma.local [hbm:s5], s20  }
0xa4: {  	_ =	swait.ge [sflag:s22], s20  }
0xa5: {  	s4 =	ssub.s32 $0x0, s20;
	[sflag:s22] =	ssyncset.done $0x0  }
0xa6: {  	[sflag:s22] =	ssyncadd.s32 s4;
	_ =	sdelay $0x1  }
0xa7: {  	s23 =	simm.s32 $0x1B8B  }
0xa8: {  	_ =	swait.ge [sflag:s23], $0x1  }
0xa9: {  	[sflag:s23] =	ssyncset.done $0x0  }
0xaa: {  	s25 =	simm.s32 $0x1B8E;
	s24 =	sld [smem:$0x3FFE];
	[sflag:s23] =	ssyncadd.s32 $0xFFFFFFFF  }
0xab: {  	s26 =	simm.s32 $execute0_lowered;
	[smem:$0x3FD2] =	sst s25  }
0xac: {  	s5 =	sshll.u32 s26, $0x1;
	_ =	strace $0x80000046;
	[dreg:$0x1] =	wrdreg $0xFFFFFFFF  }
0xad: {  	s28 =	simm.s32 $_size_execute0_lowered;
	s3 =	sadd.s32 s3, s5;
	[dreg:$0x0] =	wrdreg $0x0  }
0xae: {  	s5 =	sshll.u32 s28, $0x1;
	[dreg:$0x2] =	wrdreg s3  }
0xaf: {  	[dreg:$0x3] =	wrdreg s5  }
0xb0: {  	[dreg:$0x4] =	wrdreg $0xC0  }
0xb1: {  	_ =	task [dreg:s7], $0x5FFFF  }
0xb2: {  	[dreg:$0x1] =	wrdreg $0xFFFFFFFF  }
0xb3: {  	[dreg:$0x0] =	wrdreg $0x60  }
0xb4: {  	[dreg:$0x2] =	wrdreg s24  }
0xb5: {  	[dreg:$0x3] =	wrdreg s16  }
0xb6: {  	[dreg:$0x4] =	wrdreg $0x9  }
0xb7: {  	_ =	task.clear_ibuf [dreg:s7], $0x5FFFF;
	_ =	strace $0x90000046  }
0xb8: {  	s29 =	simm.s32 $0x9;
	_ =	strace $0x80000048  }
0xb9: {  	_ =	swait.ge [sflag:s29], $0x1  }
0xba: {  	[sflag:s29] =	ssyncadd.s32 $0xFFFFFFFF  }
0xbb: {  	_ =	strace $0x90000048  }
0xbc: {  	_ =	sfence  }
0xbd: {  	s30 =	sld [smem:$0x0];
	_ =	sdelay $0x2  }
0xbe: {  	s31 =	sshll.u32 s1, $0xD;
	s1 =	sshrl.u32 s1, $0x2  }
0xbf: {  	s3 =	sand.u32 $0x4000, s31;
	s1 =	sadd.s32 s1, s30  }
0xc0: {  	s0 =	sor.u32 s3, s0;
	s1 =	sshll.u32 s1, $0x11  }
0xc1: {  	s0 =	sor.u32 s1, s0  }
0xc2: {  	s0 =	sadd.s32 $0x8F2B, s0  }
0xc3: {  	[sflag:s0] =	ssyncadd.remote.s32 $0x1  }
0xc4: {  	_ =	sfence.sel $0xFFFF  }
0xc5: {  	[dreg:$0x0] =	wrdreg $0xFFFFFFFF;
	(pc) =	sbr.abs _section_cstart, $3  }
0xc6: {  	[dreg:$0x1] =	wrdreg $0xFFFFFFFF  }
0xc7: {  	_ =	task.clear_ibuf [dreg:s7], $0x2FFFF;
	_ =	strace $0x9FFFFFFF  }
0xc8: {  	(tm) =	ssettm $0x7FFFFFFF  }
0xc9: {  	_ =	shalt  }
tec
execute0_lowered:
.L_overlay_start_1:
0x0: {  	(tag) =	ssettag $0x1  }
0x1: {  	s0 =	srdreg.scid;
	s3 =	rddreg [dreg:$0x0]  }
0x2: {  	s1 =	stileid.u32;
	s4 =	rddreg [dreg:$0x1];
	s2 =	simm.s32 $0x0  }
0x3: {  	s10 =	simm.s32 $0x80;
	s12 =	simm.s32 $0x100;
	s13 =	simm.s32 $0x180  }
0x4: {  	s14 =	simm.s32 $0x200;
	s15 =	simm.s32 $0x280;
	s16 =	simm.s32 $0x300  }
0x5: {  	s17 =	simm.s32 $0x380;
	s18 =	simm.s32 $0x400;
	p0 =	por $0x0, $0x0  }
0x6: {  	s28 =	simm.s32 $0xA480;
	s29 =	simm.s32 $0xC480;
	s30 =	simm.s32 $0xE480  }
0x7: {  	s31 =	simm.s32 $0x10480;
	s0 =	sand.u32 $0x1, s0;
	s1 =	sshll.u32 s1, $0x1  }
0x8: {  	s9 =	simm.s32 $0x1;
	s8 =	simm.s32 $0x9480;
	s1 =	sor.u32 s0, s1  }
0x9: {  	[smem:$0x7FF] =	sst s2;
	s0 =	ssub.s32 $0x2, s0;
	s5 =	smul.u32 $0x480, s1  }
0xa: {  	s6 =	sadd.s32 $0xA00, s3;
	s7 =	sshrl.u32 s0, $0x1;
	s25 =	smul.u32 $0x12000, s1  }
0xb: {  	_ =	strace $0x80000047;
	s1 =	smul.u32 $0x2400, s1;
	s0 =	ssub.s32 s0, s7  }
0xc: {  	s7 =	simm.s32 $0x480;
	s5 =	sshrl.u32 s5, $0x3;
	s26 =	sshrl.u32 s25, $0x3  }
0xd: {  	s0 =	smax.u32 s0, $0x1;
	s25 =	simm.s32 $0x6480;
	s5 =	sadd.s32 s5, s3  }
0xe: {  	s3 =	sadd.s32 s4, s26;
	s26 =	simm.s32 $0x8480;
	s21 =	sadd.s32 $0x10A00, s5  }
0xf: {  	p1 =	sne.s32 s0, $0x1;
	s22 =	sadd.s32 $0x10A10, s5;
	[dreg:$0x3] =	wrdreg s21  }
0x10: {  	s23 =	sadd.s32 $0x10A20, s5;
	s24 =	sadd.s32 $0x10A30, s5;
	[dreg:$0x4] =	wrdreg s22  }
.Ltmp0:
0x11: {  	s20 =	sadd.s32 $0x10A60, s5;
	[dreg:$0x5] =	wrdreg s23;
	(pc) =	sbr.rel @!p1 .LBB2_3-.Ltmp0, $4  }
0x12: {  	s19 =	sadd.s32 $0x10A70, s5;
	s11 =	sadd.s32 $0x10A80, s5;
	[dreg:$0x6] =	wrdreg s24  }
0x13: {  	s22 =	sadd.s32 $0x10A40, s5;
	s21 =	sadd.s32 $0x10A50, s5;
	s5 =	sadd.s32 s4, s1  }
0x14: {  	s4 =	sadd.s32 $0x1200, s3;
	s3 =	simm.s32 $0x2;
	s23 =	simm.s32 $0x2480  }
0x15: {  	s24 =	simm.s32 $0x4480;
	s1 =	sadd.s32 $0xFFFFFFFF, s0;
	s0 =	rddreg [dreg:$0x3]  }
0x16: {  	[tilespmem:s2], [sflag:$0x2] =	stream.linear.gather [hbm4b:s0+s2], $0x80, $0x38;
	[tilespmem:$0x12480] =	vst v63  }
0x17: {  	_ =	swait.ge [sflag:s3], $0x80  }
0x18: {  	[sflag:s3] =	ssyncset.done $0x0  }
0x19: {  	s0 =	rddreg [dreg:$0x4];
	[sflag:s3] =	ssyncadd.s32 $0xFFFFFF80  }
0x1a: {  	[tilespmem:s10], [sflag:$0x2] =	stream.linear.gather [hbm4b:s0+s2], $0x80, $0x38;
	[tilespmem:$0x12480] =	vst v63  }
0x1b: {  	_ =	swait.ge [sflag:s3], $0x80  }
0x1c: {  	[sflag:s3] =	ssyncset.done $0x0  }
0x1d: {  	s0 =	rddreg [dreg:$0x5];
	[sflag:s3] =	ssyncadd.s32 $0xFFFFFF80  }
0x1e: {  	[tilespmem:s12], [sflag:$0x2] =	stream.linear.gather [hbm4b:s0+s2], $0x80, $0x38;
	[tilespmem:$0x12480] =	vst v63  }
0x1f: {  	_ =	swait.ge [sflag:s3], $0x80  }
0x20: {  	[sflag:s3] =	ssyncset.done $0x0  }
0x21: {  	s0 =	rddreg [dreg:$0x6];
	[sflag:s3] =	ssyncadd.s32 $0xFFFFFF80  }
0x22: {  	[tilespmem:s13], [sflag:$0x2] =	stream.linear.gather [hbm4b:s0+s2], $0x80, $0x38;
	[tilespmem:$0x12480] =	vst v63  }
0x23: {  	_ =	swait.ge [sflag:s3], $0x80  }
0x24: {  	[sflag:s3] =	ssyncset.done $0x0  }
0x25: {  	[sflag:s3] =	ssyncadd.s32 $0xFFFFFF80  }
0x26: {  	[tilespmem:s14], [sflag:$0x2] =	stream.linear.gather [hbm4b:s22+s2], $0x80, $0x38;
	[tilespmem:$0x12480] =	vst v63  }
0x27: {  	_ =	swait.ge [sflag:s3], $0x80  }
0x28: {  	[sflag:s3] =	ssyncset.done $0x0  }
0x29: {  	[sflag:s3] =	ssyncadd.s32 $0xFFFFFF80  }
0x2a: {  	[tilespmem:s15], [sflag:$0x2] =	stream.linear.gather [hbm4b:s21+s2], $0x80, $0x38;
	[tilespmem:$0x12480] =	vst v63  }
0x2b: {  	_ =	swait.ge [sflag:s3], $0x80  }
0x2c: {  	[sflag:s3] =	ssyncset.done $0x0  }
0x2d: {  	[sflag:s3] =	ssyncadd.s32 $0xFFFFFF80  }
0x2e: {  	[tilespmem:s16], [sflag:$0x2] =	stream.linear.gather [hbm4b:s20+s2], $0x80, $0x38;
	[tilespmem:$0x12480] =	vst v63  }
0x2f: {  	_ =	swait.ge [sflag:s3], $0x80  }
0x30: {  	[sflag:s3] =	ssyncset.done $0x0  }
0x31: {  	[sflag:s3] =	ssyncadd.s32 $0xFFFFFF80  }
0x32: {  	[tilespmem:s17], [sflag:$0x2] =	stream.linear.gather [hbm4b:s19+s2], $0x80, $0x38;
	[tilespmem:$0x12480] =	vst v63  }
0x33: {  	_ =	swait.ge [sflag:s3], $0x80  }
0x34: {  	[sflag:s3] =	ssyncset.done $0x0  }
0x35: {  	[sflag:s3] =	ssyncadd.s32 $0xFFFFFF80  }
0x36: {  	[tilespmem:s18], [sflag:$0x2] =	stream.linear.gather [hbm4b:s11+s2], $0x80, $0x38;
	[tilespmem:$0x12480] =	vst v63  }
0x37: {  	_ =	swait.ge [sflag:s3], $0x80  }
0x38: {  	[sflag:s3] =	ssyncset.done $0x0  }
0x39: {  	[sflag:s3] =	ssyncadd.s32 $0xFFFFFF80  }
0x3a: {  	[tilespmem:s7], [sflag:$0x1] =	stream.indirect.gather [hbm4b:s6+s10], $0x40, s2, s10, $0xb8;
	[tilespmem:$0x12480] =	vst v63  }
0x3b: {  	_ = 	snop  }
0x3c: {  	[tilespmem:s23], [sflag:$0x1] =	stream.indirect.gather [hbm4b:s6+s10], $0x40, s10, s10, $0xb8;
	[tilespmem:$0x12480] =	vst v63  }
0x3d: {  	_ = 	snop  }
0x3e: {  	[tilespmem:s24], [sflag:$0x1] =	stream.indirect.gather [hbm4b:s6+s10], $0x40, s12, s10, $0xb8;
	[tilespmem:$0x12480] =	vst v63  }
0x3f: {  	_ = 	snop  }
0x40: {  	[tilespmem:s25], [sflag:$0x1] =	stream.indirect.gather [hbm4b:s6+s10], $0x40, s13, s10, $0xb8;
	[tilespmem:$0x12480] =	vst v63  }
0x41: {  	_ = 	snop  }
0x42: {  	[tilespmem:s26], [sflag:$0x1] =	stream.indirect.gather [hbm4b:s6+s10], $0x40, s14, s10, $0xb8;
	[tilespmem:$0x12480] =	vst v63  }
0x43: {  	_ = 	snop  }
0x44: {  	[tilespmem:s28], [sflag:$0x1] =	stream.indirect.gather [hbm4b:s6+s10], $0x40, s15, s10, $0xb8;
	[tilespmem:$0x12480] =	vst v63  }
0x45: {  	_ = 	snop  }
0x46: {  	[tilespmem:s29], [sflag:$0x1] =	stream.indirect.gather [hbm4b:s6+s10], $0x40, s16, s10, $0xb8;
	[tilespmem:$0x12480] =	vst v63  }
0x47: {  	_ = 	snop  }
0x48: {  	[tilespmem:s30], [sflag:$0x1] =	stream.indirect.gather [hbm4b:s6+s10], $0x40, s17, s10, $0xb8;
	[tilespmem:$0x12480] =	vst v63  }
0x49: {  	_ = 	snop  }
0x4a: {  	[tilespmem:s31], [sflag:$0x1] =	stream.indirect.gather [hbm4b:s6+s10], $0x40, s18, s10, $0xb8;
	[tilespmem:$0x12480] =	vst v63  }
0x4b: {  	_ =	swait.ge [sflag:s9], $0x2000  }
0x4c: {  	[sflag:s9] =	ssyncset.done $0x0  }
0x4d: {  	[sflag:s9] =	ssyncadd.s32 $0xFFFFE000  }
0x4e: {  	_ =	swait.ge [sflag:s9], $0x2000  }
0x4f: {  	[sflag:s9] =	ssyncset.done $0x0  }
0x50: {  	[sflag:s9] =	ssyncadd.s32 $0xFFFFE000  }
0x51: {  	_ =	swait.ge [sflag:s9], $0x2000  }
0x52: {  	[sflag:s9] =	ssyncset.done $0x0  }
0x53: {  	[sflag:s9] =	ssyncadd.s32 $0xFFFFE000  }
0x54: {  	_ =	swait.ge [sflag:s9], $0x2000  }
0x55: {  	[sflag:s9] =	ssyncset.done $0x0  }
0x56: {  	[sflag:s9] =	ssyncadd.s32 $0xFFFFE000  }
0x57: {  	_ =	swait.ge [sflag:s9], $0x2000  }
0x58: {  	[sflag:s9] =	ssyncset.done $0x0  }
0x59: {  	[sflag:s9] =	ssyncadd.s32 $0xFFFFE000  }
0x5a: {  	_ =	swait.ge [sflag:s9], $0x2000  }
0x5b: {  	[sflag:s9] =	ssyncset.done $0x0  }
0x5c: {  	[sflag:s9] =	ssyncadd.s32 $0xFFFFE000  }
0x5d: {  	_ =	swait.ge [sflag:s9], $0x2000  }
0x5e: {  	[sflag:s9] =	ssyncset.done $0x0  }
0x5f: {  	[sflag:s9] =	ssyncadd.s32 $0xFFFFE000  }
0x60: {  	_ =	swait.ge [sflag:s9], $0x2000  }
0x61: {  	[sflag:s9] =	ssyncset.done $0x0  }
0x62: {  	[sflag:s9] =	ssyncadd.s32 $0xFFFFE000  }
0x63: {  	_ =	swait.ge [sflag:s9], $0x2000  }
0x64: {  	[sflag:s9] =	ssyncset.done $0x0  }
0x65: {  	[sflag:s9] =	ssyncadd.s32 $0xFFFFE000  }
0x66: {  	[hbm4b:s5+s2] =	stream.linear.scatter [tilespmem:s7], [sflag:$0x2], $0x9000, $0x38;
	[tilespmem:$0x12480] =	vst v63  }
0x67: {  	p1 =	sne.s32 s1, $0x1;
	_ =	swait.ge [sflag:s3], $0x9000  }
.Ltmp1:
0x68: {  	[sflag:s3] =	ssyncset.done $0x0;
	(pc) =	sbr.rel @!p1 .LBB2_3-.Ltmp1, $4  }
0x69: {  	[sflag:s3] =	ssyncadd.s32 $0xFFFF7000  }
0x6a: {  	[hbm4b:s4+s2] =	stream.linear.scatter [tilespmem:s8], [sflag:$0x2], $0x9000, $0x38;
	[tilespmem:$0x12480] =	vst v63  }
0x6b: {  	s1 =	sadd.s32 $0xFFFFFFFF, s1;
	_ =	swait.ge [sflag:s3], $0x9000  }
0x6c: {  	p0 =	por $0x1, $0x1;
	s0 =	rddreg [dreg:$0x3];
	[sflag:s3] =	ssyncset.done $0x0  }
.LBB2_2:
0x6d: {  	[sflag:s3] =	ssyncadd.s32 $0xFFFF7000  }
0x6e: {  	[tilespmem:s2], [sflag:$0x2] =	stream.linear.gather [hbm4b:s0+s2], $0x80, $0x38;
	[tilespmem:$0x12480] =	vst v63  }
0x6f: {  	_ =	swait.ge [sflag:s3], $0x80  }
0x70: {  	[sflag:s3] =	ssyncset.done $0x0  }
0x71: {  	s0 =	rddreg [dreg:$0x4];
	[sflag:s3] =	ssyncadd.s32 $0xFFFFFF80  }
0x72: {  	[tilespmem:s10], [sflag:$0x2] =	stream.linear.gather [hbm4b:s0+s2], $0x80, $0x38;
	[tilespmem:$0x12480] =	vst v63  }
0x73: {  	_ =	swait.ge [sflag:s3], $0x80  }
0x74: {  	[sflag:s3] =	ssyncset.done $0x0  }
0x75: {  	s0 =	rddreg [dreg:$0x5];
	[sflag:s3] =	ssyncadd.s32 $0xFFFFFF80  }
0x76: {  	[tilespmem:s12], [sflag:$0x2] =	stream.linear.gather [hbm4b:s0+s2], $0x80, $0x38;
	[tilespmem:$0x12480] =	vst v63  }
0x77: {  	_ =	swait.ge [sflag:s3], $0x80  }
0x78: {  	[sflag:s3] =	ssyncset.done $0x0  }
0x79: {  	s0 =	rddreg [dreg:$0x6];
	[sflag:s3] =	ssyncadd.s32 $0xFFFFFF80  }
0x7a: {  	[tilespmem:s13], [sflag:$0x2] =	stream.linear.gather [hbm4b:s0+s2], $0x80, $0x38;
	[tilespmem:$0x12480] =	vst v63  }
0x7b: {  	_ =	swait.ge [sflag:s3], $0x80  }
0x7c: {  	[sflag:s3] =	ssyncset.done $0x0  }
0x7d: {  	[sflag:s3] =	ssyncadd.s32 $0xFFFFFF80  }
0x7e: {  	[tilespmem:s14], [sflag:$0x2] =	stream.linear.gather [hbm4b:s22+s2], $0x80, $0x38;
	[tilespmem:$0x12480] =	vst v63  }
0x7f: {  	_ =	swait.ge [sflag:s3], $0x80  }
0x80: {  	[sflag:s3] =	ssyncset.done $0x0  }
0x81: {  	[sflag:s3] =	ssyncadd.s32 $0xFFFFFF80  }
0x82: {  	[tilespmem:s15], [sflag:$0x2] =	stream.linear.gather [hbm4b:s21+s2], $0x80, $0x38;
	[tilespmem:$0x12480] =	vst v63  }
0x83: {  	_ =	swait.ge [sflag:s3], $0x80  }
0x84: {  	[sflag:s3] =	ssyncset.done $0x0  }
0x85: {  	[sflag:s3] =	ssyncadd.s32 $0xFFFFFF80  }
0x86: {  	[tilespmem:s16], [sflag:$0x2] =	stream.linear.gather [hbm4b:s20+s2], $0x80, $0x38;
	[tilespmem:$0x12480] =	vst v63  }
0x87: {  	_ =	swait.ge [sflag:s3], $0x80  }
0x88: {  	[sflag:s3] =	ssyncset.done $0x0  }
0x89: {  	[sflag:s3] =	ssyncadd.s32 $0xFFFFFF80  }
0x8a: {  	[tilespmem:s17], [sflag:$0x2] =	stream.linear.gather [hbm4b:s19+s2], $0x80, $0x38;
	[tilespmem:$0x12480] =	vst v63  }
0x8b: {  	_ =	swait.ge [sflag:s3], $0x80  }
0x8c: {  	[sflag:s3] =	ssyncset.done $0x0  }
0x8d: {  	[sflag:s3] =	ssyncadd.s32 $0xFFFFFF80  }
0x8e: {  	[tilespmem:s18], [sflag:$0x2] =	stream.linear.gather [hbm4b:s11+s2], $0x80, $0x38;
	[tilespmem:$0x12480] =	vst v63  }
0x8f: {  	_ =	swait.ge [sflag:s3], $0x80  }
0x90: {  	[sflag:s3] =	ssyncset.done $0x0  }
0x91: {  	[sflag:s3] =	ssyncadd.s32 $0xFFFFFF80  }
0x92: {  	[tilespmem:s7], [sflag:$0x1] =	stream.indirect.gather [hbm4b:s6+s10], $0x40, s2, s10, $0xb8;
	[tilespmem:$0x12480] =	vst v63  }
0x93: {  	_ = 	snop  }
0x94: {  	[tilespmem:s23], [sflag:$0x1] =	stream.indirect.gather [hbm4b:s6+s10], $0x40, s10, s10, $0xb8;
	[tilespmem:$0x12480] =	vst v63  }
0x95: {  	_ = 	snop  }
0x96: {  	[tilespmem:s24], [sflag:$0x1] =	stream.indirect.gather [hbm4b:s6+s10], $0x40, s12, s10, $0xb8;
	[tilespmem:$0x12480] =	vst v63  }
0x97: {  	_ = 	snop  }
0x98: {  	[tilespmem:s25], [sflag:$0x1] =	stream.indirect.gather [hbm4b:s6+s10], $0x40, s13, s10, $0xb8;
	[tilespmem:$0x12480] =	vst v63  }
0x99: {  	_ = 	snop  }
0x9a: {  	[tilespmem:s26], [sflag:$0x1] =	stream.indirect.gather [hbm4b:s6+s10], $0x40, s14, s10, $0xb8;
	[tilespmem:$0x12480] =	vst v63  }
0x9b: {  	_ = 	snop  }
0x9c: {  	[tilespmem:s28], [sflag:$0x1] =	stream.indirect.gather [hbm4b:s6+s10], $0x40, s15, s10, $0xb8;
	[tilespmem:$0x12480] =	vst v63  }
0x9d: {  	_ = 	snop  }
0x9e: {  	[tilespmem:s29], [sflag:$0x1] =	stream.indirect.gather [hbm4b:s6+s10], $0x40, s16, s10, $0xb8;
	[tilespmem:$0x12480] =	vst v63  }
0x9f: {  	_ = 	snop  }
0xa0: {  	[tilespmem:s30], [sflag:$0x1] =	stream.indirect.gather [hbm4b:s6+s10], $0x40, s17, s10, $0xb8;
	[tilespmem:$0x12480] =	vst v63  }
0xa1: {  	_ = 	snop  }
0xa2: {  	[tilespmem:s31], [sflag:$0x1] =	stream.indirect.gather [hbm4b:s6+s10], $0x40, s18, s10, $0xb8;
	[tilespmem:$0x12480] =	vst v63  }
0xa3: {  	_ =	swait.ge [sflag:s9], $0x2000  }
0xa4: {  	[sflag:s9] =	ssyncset.done $0x0  }
0xa5: {  	[sflag:s9] =	ssyncadd.s32 $0xFFFFE000  }
0xa6: {  	_ =	swait.ge [sflag:s9], $0x2000  }
0xa7: {  	[sflag:s9] =	ssyncset.done $0x0  }
0xa8: {  	[sflag:s9] =	ssyncadd.s32 $0xFFFFE000  }
0xa9: {  	_ =	swait.ge [sflag:s9], $0x2000  }
0xaa: {  	[sflag:s9] =	ssyncset.done $0x0  }
0xab: {  	[sflag:s9] =	ssyncadd.s32 $0xFFFFE000  }
0xac: {  	_ =	swait.ge [sflag:s9], $0x2000  }
0xad: {  	[sflag:s9] =	ssyncset.done $0x0  }
0xae: {  	[sflag:s9] =	ssyncadd.s32 $0xFFFFE000  }
0xaf: {  	_ =	swait.ge [sflag:s9], $0x2000  }
0xb0: {  	[sflag:s9] =	ssyncset.done $0x0  }
0xb1: {  	[sflag:s9] =	ssyncadd.s32 $0xFFFFE000  }
0xb2: {  	_ =	swait.ge [sflag:s9], $0x2000  }
0xb3: {  	[sflag:s9] =	ssyncset.done $0x0  }
0xb4: {  	[sflag:s9] =	ssyncadd.s32 $0xFFFFE000  }
0xb5: {  	_ =	swait.ge [sflag:s9], $0x2000  }
0xb6: {  	[sflag:s9] =	ssyncset.done $0x0  }
0xb7: {  	[sflag:s9] =	ssyncadd.s32 $0xFFFFE000  }
0xb8: {  	_ =	swait.ge [sflag:s9], $0x2000  }
0xb9: {  	[sflag:s9] =	ssyncset.done $0x0  }
0xba: {  	[sflag:s9] =	ssyncadd.s32 $0xFFFFE000  }
0xbb: {  	_ =	swait.ge [sflag:s9], $0x2000  }
0xbc: {  	[sflag:s9] =	ssyncset.done $0x0  }
0xbd: {  	[sflag:s9] =	ssyncadd.s32 $0xFFFFE000  }
0xbe: {  	[hbm4b:s5+s2] =	stream.linear.scatter [tilespmem:s7], [sflag:$0x2], $0x9000, $0x38;
	[tilespmem:$0x12480] =	vst v63  }
0xbf: {  	p1 =	sne.s32 s1, $0x1;
	_ =	swait.ge [sflag:s3], $0x9000  }
.Ltmp2:
0xc0: {  	[sflag:s3] =	ssyncset.done $0x0;
	(pc) =	sbr.rel @p1 .LBB2_2-.Ltmp2, $4  }
0xc1: {  	[sflag:s3] =	ssyncadd.s32 $0xFFFF7000  }
0xc2: {  	[hbm4b:s4+s2] =	stream.linear.scatter [tilespmem:s8], [sflag:$0x2], $0x9000, $0x38;
	[tilespmem:$0x12480] =	vst v63  }
0xc3: {  	_ =	swait.ge [sflag:s3], $0x9000  }
0xc4: {  	s1 =	sadd.s32 $0xFFFFFFFF, s1;
	s0 =	rddreg [dreg:$0x3];
	[sflag:s3] =	ssyncset.done $0x0  }
.LBB2_3:
0xc5: {  	[sflag:s3] =	ssyncadd.s32 @p0 $0xFFFF7000  }
0xc6: {  	[tilespmem:s2], [sflag:$0x2] =	stream.linear.gather [hbm4b:s0+s2], $0x80, $0x38;
	[tilespmem:$0x12480] =	vst v63  }
0xc7: {  	_ =	swait.ge [sflag:s3], $0x80  }
0xc8: {  	[sflag:s3] =	ssyncset.done $0x0  }
0xc9: {  	s1 =	rddreg [dreg:$0x4];
	[sflag:s3] =	ssyncadd.s32 $0xFFFFFF80  }
0xca: {  	[tilespmem:s10], [sflag:$0x2] =	stream.linear.gather [hbm4b:s1+s2], $0x80, $0x38;
	[tilespmem:$0x12480] =	vst v63  }
0xcb: {  	_ =	swait.ge [sflag:s3], $0x80  }
0xcc: {  	[sflag:s3] =	ssyncset.done $0x0  }
0xcd: {  	s1 =	rddreg [dreg:$0x5];
	[sflag:s3] =	ssyncadd.s32 $0xFFFFFF80  }
0xce: {  	[tilespmem:s12], [sflag:$0x2] =	stream.linear.gather [hbm4b:s1+s2], $0x80, $0x38;
	[tilespmem:$0x12480] =	vst v63  }
0xcf: {  	_ =	swait.ge [sflag:s3], $0x80  }
0xd0: {  	[sflag:s3] =	ssyncset.done $0x0  }
0xd1: {  	s1 =	rddreg [dreg:$0x6];
	[sflag:s3] =	ssyncadd.s32 $0xFFFFFF80  }
0xd2: {  	[tilespmem:s13], [sflag:$0x2] =	stream.linear.gather [hbm4b:s1+s2], $0x80, $0x38;
	[tilespmem:$0x12480] =	vst v63  }
0xd3: {  	_ =	swait.ge [sflag:s3], $0x80  }
0xd4: {  	[sflag:s3] =	ssyncset.done $0x0  }
0xd5: {  	[sflag:s3] =	ssyncadd.s32 $0xFFFFFF80  }
0xd6: {  	[tilespmem:s14], [sflag:$0x2] =	stream.linear.gather [hbm4b:s22+s2], $0x80, $0x38;
	[tilespmem:$0x12480] =	vst v63  }
0xd7: {  	_ =	swait.ge [sflag:s3], $0x80  }
0xd8: {  	[sflag:s3] =	ssyncset.done $0x0  }
0xd9: {  	[sflag:s3] =	ssyncadd.s32 $0xFFFFFF80  }
0xda: {  	[tilespmem:s15], [sflag:$0x2] =	stream.linear.gather [hbm4b:s21+s2], $0x80, $0x38;
	[tilespmem:$0x12480] =	vst v63  }
0xdb: {  	_ =	swait.ge [sflag:s3], $0x80  }
0xdc: {  	[sflag:s3] =	ssyncset.done $0x0  }
0xdd: {  	[sflag:s3] =	ssyncadd.s32 $0xFFFFFF80  }
0xde: {  	[tilespmem:s16], [sflag:$0x2] =	stream.linear.gather [hbm4b:s20+s2], $0x80, $0x38;
	[tilespmem:$0x12480] =	vst v63  }
0xdf: {  	_ =	swait.ge [sflag:s3], $0x80  }
0xe0: {  	[sflag:s3] =	ssyncset.done $0x0  }
0xe1: {  	[sflag:s3] =	ssyncadd.s32 $0xFFFFFF80  }
0xe2: {  	[tilespmem:s17], [sflag:$0x2] =	stream.linear.gather [hbm4b:s19+s2], $0x80, $0x38;
	[tilespmem:$0x12480] =	vst v63  }
0xe3: {  	_ =	swait.ge [sflag:s3], $0x80  }
0xe4: {  	[sflag:s3] =	ssyncset.done $0x0  }
0xe5: {  	[sflag:s3] =	ssyncadd.s32 $0xFFFFFF80  }
0xe6: {  	[tilespmem:s18], [sflag:$0x2] =	stream.linear.gather [hbm4b:s11+s2], $0x80, $0x38;
	[tilespmem:$0x12480] =	vst v63  }
0xe7: {  	_ =	swait.ge [sflag:s3], $0x80  }
0xe8: {  	[sflag:s3] =	ssyncset.done $0x0  }
0xe9: {  	[sflag:s3] =	ssyncadd.s32 $0xFFFFFF80  }
0xea: {  	[tilespmem:s7], [sflag:$0x1] =	stream.indirect.gather [hbm4b:s6+s10], $0x40, s2, s10, $0xb8;
	[tilespmem:$0x12480] =	vst v63  }
0xeb: {  	_ = 	snop  }
0xec: {  	[tilespmem:s23], [sflag:$0x1] =	stream.indirect.gather [hbm4b:s6+s10], $0x40, s10, s10, $0xb8;
	[tilespmem:$0x12480] =	vst v63  }
0xed: {  	_ = 	snop  }
0xee: {  	[tilespmem:s24], [sflag:$0x1] =	stream.indirect.gather [hbm4b:s6+s10], $0x40, s12, s10, $0xb8;
	[tilespmem:$0x12480] =	vst v63  }
0xef: {  	_ = 	snop  }
0xf0: {  	[tilespmem:s25], [sflag:$0x1] =	stream.indirect.gather [hbm4b:s6+s10], $0x40, s13, s10, $0xb8;
	[tilespmem:$0x12480] =	vst v63  }
0xf1: {  	_ = 	snop  }
0xf2: {  	[tilespmem:s26], [sflag:$0x1] =	stream.indirect.gather [hbm4b:s6+s10], $0x40, s14, s10, $0xb8;
	[tilespmem:$0x12480] =	vst v63  }
0xf3: {  	_ = 	snop  }
0xf4: {  	[tilespmem:s28], [sflag:$0x1] =	stream.indirect.gather [hbm4b:s6+s10], $0x40, s15, s10, $0xb8;
	[tilespmem:$0x12480] =	vst v63  }
0xf5: {  	_ = 	snop  }
0xf6: {  	[tilespmem:s29], [sflag:$0x1] =	stream.indirect.gather [hbm4b:s6+s10], $0x40, s16, s10, $0xb8;
	[tilespmem:$0x12480] =	vst v63  }
0xf7: {  	_ = 	snop  }
0xf8: {  	[tilespmem:s30], [sflag:$0x1] =	stream.indirect.gather [hbm4b:s6+s10], $0x40, s17, s10, $0xb8;
	[tilespmem:$0x12480] =	vst v63  }
0xf9: {  	_ = 	snop  }
0xfa: {  	[tilespmem:s31], [sflag:$0x1] =	stream.indirect.gather [hbm4b:s6+s10], $0x40, s18, s10, $0xb8;
	[tilespmem:$0x12480] =	vst v63  }
0xfb: {  	_ =	swait.ge [sflag:s9], $0x2000  }
0xfc: {  	[sflag:s9] =	ssyncset.done $0x0  }
0xfd: {  	[sflag:s9] =	ssyncadd.s32 $0xFFFFE000  }
0xfe: {  	_ =	swait.ge [sflag:s9], $0x2000  }
0xff: {  	[sflag:s9] =	ssyncset.done $0x0  }
0x100: {  	[sflag:s9] =	ssyncadd.s32 $0xFFFFE000  }
0x101: {  	_ =	swait.ge [sflag:s9], $0x2000  }
0x102: {  	[sflag:s9] =	ssyncset.done $0x0  }
0x103: {  	[sflag:s9] =	ssyncadd.s32 $0xFFFFE000  }
0x104: {  	_ =	swait.ge [sflag:s9], $0x2000  }
0x105: {  	[sflag:s9] =	ssyncset.done $0x0  }
0x106: {  	[sflag:s9] =	ssyncadd.s32 $0xFFFFE000  }
0x107: {  	_ =	swait.ge [sflag:s9], $0x2000  }
0x108: {  	[sflag:s9] =	ssyncset.done $0x0  }
0x109: {  	[sflag:s9] =	ssyncadd.s32 $0xFFFFE000  }
0x10a: {  	_ =	swait.ge [sflag:s9], $0x2000  }
0x10b: {  	[sflag:s9] =	ssyncset.done $0x0  }
0x10c: {  	[sflag:s9] =	ssyncadd.s32 $0xFFFFE000  }
0x10d: {  	_ =	swait.ge [sflag:s9], $0x2000  }
0x10e: {  	[sflag:s9] =	ssyncset.done $0x0  }
0x10f: {  	[sflag:s9] =	ssyncadd.s32 $0xFFFFE000  }
0x110: {  	_ =	swait.ge [sflag:s9], $0x2000  }
0x111: {  	[sflag:s9] =	ssyncset.done $0x0  }
0x112: {  	[sflag:s9] =	ssyncadd.s32 $0xFFFFE000  }
0x113: {  	_ =	swait.ge [sflag:s9], $0x2000  }
0x114: {  	[sflag:s9] =	ssyncset.done $0x0  }
0x115: {  	[sflag:s9] =	ssyncadd.s32 $0xFFFFE000  }
0x116: {  	[hbm4b:s5+s2] =	stream.linear.scatter [tilespmem:s7], [sflag:$0x2], $0x9000, $0x38;
	[tilespmem:$0x12480] =	vst v63  }
0x117: {  	_ =	swait.ge [sflag:s3], $0x9000  }
0x118: {  	[sflag:s3] =	ssyncset.done $0x0  }
0x119: {  	[sflag:s3] =	ssyncadd.s32 $0xFFFF7000  }
0x11a: {  	[hbm4b:s4+s2] =	stream.linear.scatter [tilespmem:s8], [sflag:$0x2], $0x9000, $0x38;
	[tilespmem:$0x12480] =	vst v63  }
0x11b: {  	_ =	swait.ge [sflag:s3], $0x9000  }
0x11c: {  	[sflag:s3] =	ssyncset.done $0x0  }
0x11d: {  	[sflag:s3] =	ssyncadd.s32 $0xFFFF7000  }
0x11e: {  	_ =	sfence.sel $0x180000  }
0x11f: {  	[bflag:$0x0] =	sbarrier.arrive $0xFFFF  }
0x120: {  	_ =	strace $0x90000047  }
0x121: {  	s31 =	stileid.u32;
	[bflag:$0x2] =	sbarrier.arrive $0xFFFF  }
0x122: {  	p0 =	sne.s32 s31, $0x0;
	s0 =	rddreg [dreg:$0x2]  }
0x123: {  	s0 =	sadd.s32 @!p0 $0x100000, s0  }
0x124: {  	[sflag:s0] =	ssyncadd.tile.s32 @!p0 $0x1;
	_ =	shalt  }
.Lfunc_end2:
_tile_overlayer_lowered:
.L_overlay_start_2:
0x125: {  	(tag) =	ssettag $0x2  }
0x126: {  	s0 =	rddreg [dreg:$0x0];
	s2 =	stileid.u32  }
0x127: {  	s1 =	rddreg [dreg:$0x1];
	p0 =	sne.s32 s2, $0x0  }
0x128: {  	s3 =	rddreg [dreg:$0x2];
	[bflag:$0x3] =	sbarrier.arrive $0xFFFF;
	s2 =	simm.s32 @!p0 $0x1C02  }
0x129: {  	[timem:s3], [sflag:s2] =	dma.local @!p0 [hbm:s0], s1  }
0x12a: {  	s0 =	simm.s32 @!p0 $0x2  }
0x12b: {  	_ =	swait.ge @!p0 [sflag:s0], s1  }
0x12c: {  	s1 =	ssub.s32 @!p0 $0x0, s1;
	[sflag:s0] =	ssyncset.done @!p0 $0x0  }
0x12d: {  	[sflag:s0] =	ssyncadd.s32 @!p0 s1  }
0x12e: {  	[bflag:$0x3] =	sbarrier.arrive $0xFFFF  }
0x12f: {  	_ =	shalt  }

</sc_bundles>
